<compile_context>
chip_gen: v7x
topology: tpu7x:2x2x1
jax: 0.10.2.dev20260603
libtpu: 0.0.44.dev20260713+nightly
codegen_flags: <defaults>
</compile_context>

<pallas_src>
import functools

import jax
import jax.numpy as jnp
from jax import lax
from jax.experimental import pallas as pl
from jax.experimental.pallas import tpu as pltpu
from jax.experimental.pallas import tpu_sc as plsc

_NUM_CORES = 2
_NUM_SUBCORES = 16
_NUM_WORKERS = _NUM_CORES * _NUM_SUBCORES
_L = 16

_GDN = lax.GatherDimensionNumbers(
    offset_dims=(), collapsed_slice_dims=(0,), start_index_map=(0,))

_BATCH = 16384
_SEQ = 200
_VOCAB = 4
_EMB = 32

_BT = _BATCH // 128
_ET = _EMB // 8
_QB = _BATCH // 4
_UNITS = _SEQ * 4
_UPW = _UNITS // _NUM_WORKERS


@functools.partial(
    pl.kernel,
    out_type=jax.ShapeDtypeStruct((_SEQ, _ET, _BT, 8, 128), jnp.float32),
    mesh=plsc.VectorSubcoreMesh(
        core_axis_name="c", subcore_axis_name="s",
        num_cores=_NUM_CORES, num_subcores=_NUM_SUBCORES),
    scratch_types=[
        pltpu.VMEM((_EMB, 128), jnp.float32),
        pltpu.VMEM((2, _QB), jnp.int32),
        pltpu.VMEM((3, 32, 8, 128), jnp.float32),
        pltpu.SemaphoreType.DMA,
        pltpu.SemaphoreType.DMA,
        pltpu.SemaphoreType.DMA,
    ],
    compiler_params=pltpu.CompilerParams(needs_layout_passes=False),
)
def _sc_embed(idx_hbm, wt_hbm, out_hbm, tab_v, idx_v, obuf,
              osem, isem0, isem1):
    wid = lax.axis_index("s") * _NUM_CORES + lax.axis_index("c")
    u0 = wid * _UPW

    pltpu.sync_copy(wt_hbm, tab_v)
    tbe = [tab_v[e, pl.ds(0, _L)] for e in range(_EMB)]

    def idx_slice(uid):
        return idx_hbm.at[uid >> 2, 0, pl.ds((uid & 3) * _QB, _QB)]

    pltpu.async_copy(idx_slice(u0), idx_v.at[0], isem0)

    def unit_body(u, carry):
        uid = u0 + u
        s = uid >> 2
        q = uid & 3
        ub = u & 1

        def wait_idx(ref, sem):
            pltpu.make_async_copy(idx_slice(uid), ref, sem).wait()

        @pl.when(ub == 0)
        def _():
            wait_idx(idx_v.at[0], isem0)

        @pl.when(ub == 1)
        def _():
            wait_idx(idx_v.at[1], isem1)

        @pl.when(u + 1 < _UPW)
        def _():
            @pl.when(ub == 0)
            def _():
                pltpu.async_copy(idx_slice(uid + 1), idx_v.at[1], isem1)

            @pl.when(ub == 1)
            def _():
                pltpu.async_copy(idx_slice(uid + 1), idx_v.at[0], isem0)

        for et in range(_ET):
            p = (u * _ET + et) - ((u * _ET + et) // 3) * 3
            dst = out_hbm.at[s, et, pl.ds(q * 32, 32)]

            def wait_prev():
                pltpu.make_async_copy(obuf.at[0], dst, osem).wait()

            if et == 3:
                wait_prev()
            else:
                @pl.when(u > 0)
                def _():
                    wait_prev()

            @plsc.parallel_loop(0, _QB // _L, step=1, unroll=2)
            def group_body(gi):
                idxv = idx_v[ub, pl.ds(gi * _L, _L)]
                btl = gi >> 3
                bil0 = (gi & 7) * _L
                for ei in range(8):
                    e = et * 8 + ei
                    col = lax.gather(
                        tbe[e], idxv[:, None], _GDN, (1,),
                        mode=lax.GatherScatterMode.PROMISE_IN_BOUNDS)
                    obuf[p, btl, ei, pl.ds(bil0, _L)] = col

            pltpu.async_copy(obuf.at[p], dst, osem)
        return carry

    lax.fori_loop(0, _UPW, unit_body, 0)

    last = u0 + _UPW - 1
    s_l = last >> 2
    q_l = last & 3
    for _ in range(3):
        pltpu.make_async_copy(
            obuf.at[0], out_hbm.at[s_l, 3, pl.ds(q_l * 32, 32)],
            osem).wait()


def kernel(gearShifter, W_gearShifter):
    idx_t = jnp.transpose(gearShifter.astype(jnp.int32), (1, 2, 0))
    sel = jnp.eye(_VOCAB, 128, dtype=W_gearShifter.dtype)
    wt = lax.dot_general(W_gearShifter, sel, (((0,), (0,)), ((), ())),
                         precision=lax.Precision.HIGHEST)
    out5 = _sc_embed(idx_t, wt)
    out = jnp.transpose(out5, (2, 4, 0, 1, 3)).reshape(
        _BATCH, _SEQ, 1, _EMB)
    return out

# --- scband reference (transcript-rebuilt; emitter-appended) ---
"""Pipeline reference for scband-cat-encoder-49624052138184 (READ-ONLY COPY).

The authoritative reference and input builder live on the scoring server;
editing this copy changes nothing except your own understanding.
"""

import jax, jax.numpy as jnp
import numpy as np

VOCAB = 4
EMB_DIM = 32
BATCH = 16384
SEQ = 200

def setup_inputs(seed: int = 0) -> dict:
    key = jax.random.key(seed)
    k_idx, k_w = jax.random.split(key)
    gearShifter = jax.random.randint(k_idx, (BATCH, SEQ, 1), 0, VOCAB, dtype=jnp.int64 if jax.config.jax_enable_x64 else jnp.int32)
    W_gearShifter = jax.random.normal(k_w, (VOCAB, EMB_DIM), dtype=jnp.float32)
    return {"gearShifter": gearShifter, "W_gearShifter": W_gearShifter}

def reference(gearShifter, W_gearShifter):
    # CatEncoder.forward: for each cat in x_dict present in encoder_dict,
    # embed then concat along last dim. Only one category here.
    outs = []
    emb = jnp.take(W_gearShifter, gearShifter.astype(jnp.int32), axis=0)  # [bs, seq, 1, emb]
    outs.append(emb)
    return jnp.concatenate(outs, axis=-1)

if __name__ == "__main__":
    import jax
    _d = setup_inputs()
    print(jax.jit(kernel)(*tuple(_d.values())))

</pallas_src>

<mosaic_0001>
#map = affine_map<(d0, d1) -> (0, 0, 0)>
#map1 = affine_map<(d0, d1) -> (0, 0)>
#map2 = affine_map<(d0, d1) -> (0, 0, 0, 0, 0)>
module attributes {stable_mosaic.version = 14 : i64} {
  func.func @_sc_embed(%arg0: i32, %arg1: i32, %arg2: memref<200x1x16384xi32, #tpu.memory_space<hbm>>, %arg3: memref<32x128xf32, #tpu.memory_space<hbm>>, %arg4: memref<200x4x128x8x128xf32, #tpu.memory_space<hbm>>, %arg5: memref<32x128xf32, #tpu.memory_space<vmem>>, %arg6: memref<2x4096xi32, #tpu.memory_space<vmem>>, %arg7: memref<3x32x8x128xf32, #tpu.memory_space<vmem>>, %arg8: memref<!tpu.dma_semaphore, #tpu.memory_space<semaphore_mem>>, %arg9: memref<!tpu.dma_semaphore, #tpu.memory_space<semaphore_mem>>, %arg10: memref<!tpu.dma_semaphore, #tpu.memory_space<semaphore_mem>>) attributes {dimension_semantics = [#tpu.dimension_semantics<core_parallel>, #tpu.dimension_semantics<subcore_parallel>], iteration_bounds = array<i64: 2, 16>, scalar_prefetch = 0 : i64, scratch_operands = 6 : i64, tpu.core_type = #tpu.core_type<sc_vector_subcore>, window_params = [{transform_indices = #map}, {transform_indices = #map1}, {transform_indices = #map2}]} {
    %mul3A = arith.constant 2 : i32
    %mul3A_0 = arith.muli %arg1, %mul3A : i32
    %add3A = arith.addi %mul3A_0, %arg0 : i32
    %mul3A_1 = arith.constant 25 : i32
    %mul3A_2 = arith.muli %add3A, %mul3A_1 : i32
    "tpu.region"() ({
      %run_scoped3A = tpu.sem_alloc : memref<!tpu.dma_semaphore, #tpu.memory_space<semaphore_mem>>
      tpu.enqueue_dma source(%arg3 : memref<32x128xf32, #tpu.memory_space<hbm>>) target(%arg5 : memref<32x128xf32, #tpu.memory_space<vmem>>) target_semaphore(%run_scoped3A : memref<!tpu.dma_semaphore, #tpu.memory_space<semaphore_mem>>)
      tpu.wait_dma2 semaphore(%run_scoped3A : memref<!tpu.dma_semaphore, #tpu.memory_space<semaphore_mem>>) src(%arg3 : memref<32x128xf32, #tpu.memory_space<hbm>>) dst(%arg5 : memref<32x128xf32, #tpu.memory_space<vmem>>)
      tpu.yield
    }) : () -> ()
    %get3A = arith.constant 0 : i32
    %get3A_3 = arith.index_cast %get3A : i32 to index
    %get3A_4 = arith.constant 0 : index
    %get3A_5 = tpu.vector_load %arg5[%get3A_3, %get3A_4] {strides = array<i32>} : memref<32x128xf32, #tpu.memory_space<vmem>>, vector<16xf32>,
    %get3A_6 = arith.constant 1 : i32
    %get3A_7 = arith.index_cast %get3A_6 : i32 to index
    %get3A_8 = arith.constant 0 : index
    %get3A_9 = tpu.vector_load %arg5[%get3A_7, %get3A_8] {strides = array<i32>} : memref<32x128xf32, #tpu.memory_space<vmem>>, vector<16xf32>,
    %get3A_10 = arith.constant 2 : i32
    %get3A_11 = arith.index_cast %get3A_10 : i32 to index
    %get3A_12 = arith.constant 0 : index
    %get3A_13 = tpu.vector_load %arg5[%get3A_11, %get3A_12] {strides = array<i32>} : memref<32x128xf32, #tpu.memory_space<vmem>>, vector<16xf32>,
    %get3A_14 = arith.constant 3 : i32
    %get3A_15 = arith.index_cast %get3A_14 : i32 to index
    %get3A_16 = arith.constant 0 : index
    %get3A_17 = tpu.vector_load %arg5[%get3A_15, %get3A_16] {strides = array<i32>} : memref<32x128xf32, #tpu.memory_space<vmem>>, vector<16xf32>,
    %get3A_18 = arith.constant 4 : i32
    %get3A_19 = arith.index_cast %get3A_18 : i32 to index
    %get3A_20 = arith.constant 0 : index
    %get3A_21 = tpu.vector_load %arg5[%get3A_19, %get3A_20] {strides = array<i32>} : memref<32x128xf32, #tpu.memory_space<vmem>>, vector<16xf32>,
    %get3A_22 = arith.constant 5 : i32
    %get3A_23 = arith.index_cast %get3A_22 : i32 to index
    %get3A_24 = arith.constant 0 : index
    %get3A_25 = tpu.vector_load %arg5[%get3A_23, %get3A_24] {strides = array<i32>} : memref<32x128xf32, #tpu.memory_space<vmem>>, vector<16xf32>,
    %get3A_26 = arith.constant 6 : i32
    %get3A_27 = arith.index_cast %get3A_26 : i32 to index
    %get3A_28 = arith.constant 0 : index
    %get3A_29 = tpu.vector_load %arg5[%get3A_27, %get3A_28] {strides = array<i32>} : memref<32x128xf32, #tpu.memory_space<vmem>>, vector<16xf32>,
    %get3A_30 = arith.constant 7 : i32
    %get3A_31 = arith.index_cast %get3A_30 : i32 to index
    %get3A_32 = arith.constant 0 : index
    %get3A_33 = tpu.vector_load %arg5[%get3A_31, %get3A_32] {strides = array<i32>} : memref<32x128xf32, #tpu.memory_space<vmem>>, vector<16xf32>,
    %get3A_34 = arith.constant 8 : i32
    %get3A_35 = arith.index_cast %get3A_34 : i32 to index
    %get3A_36 = arith.constant 0 : index
    %get3A_37 = tpu.vector_load %arg5[%get3A_35, %get3A_36] {strides = array<i32>} : memref<32x128xf32, #tpu.memory_space<vmem>>, vector<16xf32>,
    %get3A_38 = arith.constant 9 : i32
    %get3A_39 = arith.index_cast %get3A_38 : i32 to index
    %get3A_40 = arith.constant 0 : index
    %get3A_41 = tpu.vector_load %arg5[%get3A_39, %get3A_40] {strides = array<i32>} : memref<32x128xf32, #tpu.memory_space<vmem>>, vector<16xf32>,
    %get3A_42 = arith.constant 10 : i32
    %get3A_43 = arith.index_cast %get3A_42 : i32 to index
    %get3A_44 = arith.constant 0 : index
    %get3A_45 = tpu.vector_load %arg5[%get3A_43, %get3A_44] {strides = array<i32>} : memref<32x128xf32, #tpu.memory_space<vmem>>, vector<16xf32>,
    %get3A_46 = arith.constant 11 : i32
    %get3A_47 = arith.index_cast %get3A_46 : i32 to index
    %get3A_48 = arith.constant 0 : index
    %get3A_49 = tpu.vector_load %arg5[%get3A_47, %get3A_48] {strides = array<i32>} : memref<32x128xf32, #tpu.memory_space<vmem>>, vector<16xf32>,
    %get3A_50 = arith.constant 12 : i32
    %get3A_51 = arith.index_cast %get3A_50 : i32 to index
    %get3A_52 = arith.constant 0 : index
    %get3A_53 = tpu.vector_load %arg5[%get3A_51, %get3A_52] {strides = array<i32>} : memref<32x128xf32, #tpu.memory_space<vmem>>, vector<16xf32>,
    %get3A_54 = arith.constant 13 : i32
    %get3A_55 = arith.index_cast %get3A_54 : i32 to index
    %get3A_56 = arith.constant 0 : index
    %get3A_57 = tpu.vector_load %arg5[%get3A_55, %get3A_56] {strides = array<i32>} : memref<32x128xf32, #tpu.memory_space<vmem>>, vector<16xf32>,
    %get3A_58 = arith.constant 14 : i32
    %get3A_59 = arith.index_cast %get3A_58 : i32 to index
    %get3A_60 = arith.constant 0 : index
    %get3A_61 = tpu.vector_load %arg5[%get3A_59, %get3A_60] {strides = array<i32>} : memref<32x128xf32, #tpu.memory_space<vmem>>, vector<16xf32>,
    %get3A_62 = arith.constant 15 : i32
    %get3A_63 = arith.index_cast %get3A_62 : i32 to index
    %get3A_64 = arith.constant 0 : index
    %get3A_65 = tpu.vector_load %arg5[%get3A_63, %get3A_64] {strides = array<i32>} : memref<32x128xf32, #tpu.memory_space<vmem>>, vector<16xf32>,
    %get3A_66 = arith.constant 16 : i32
    %get3A_67 = arith.index_cast %get3A_66 : i32 to index
    %get3A_68 = arith.constant 0 : index
    %get3A_69 = tpu.vector_load %arg5[%get3A_67, %get3A_68] {strides = array<i32>} : memref<32x128xf32, #tpu.memory_space<vmem>>, vector<16xf32>,
    %get3A_70 = arith.constant 17 : i32
    %get3A_71 = arith.index_cast %get3A_70 : i32 to index
    %get3A_72 = arith.constant 0 : index
    %get3A_73 = tpu.vector_load %arg5[%get3A_71, %get3A_72] {strides = array<i32>} : memref<32x128xf32, #tpu.memory_space<vmem>>, vector<16xf32>,
    %get3A_74 = arith.constant 18 : i32
    %get3A_75 = arith.index_cast %get3A_74 : i32 to index
    %get3A_76 = arith.constant 0 : index
    %get3A_77 = tpu.vector_load %arg5[%get3A_75, %get3A_76] {strides = array<i32>} : memref<32x128xf32, #tpu.memory_space<vmem>>, vector<16xf32>,
    %get3A_78 = arith.constant 19 : i32
    %get3A_79 = arith.index_cast %get3A_78 : i32 to index
    %get3A_80 = arith.constant 0 : index
    %get3A_81 = tpu.vector_load %arg5[%get3A_79, %get3A_80] {strides = array<i32>} : memref<32x128xf32, #tpu.memory_space<vmem>>, vector<16xf32>,
    %get3A_82 = arith.constant 20 : i32
    %get3A_83 = arith.index_cast %get3A_82 : i32 to index
    %get3A_84 = arith.constant 0 : index
    %get3A_85 = tpu.vector_load %arg5[%get3A_83, %get3A_84] {strides = array<i32>} : memref<32x128xf32, #tpu.memory_space<vmem>>, vector<16xf32>,
    %get3A_86 = arith.constant 21 : i32
    %get3A_87 = arith.index_cast %get3A_86 : i32 to index
    %get3A_88 = arith.constant 0 : index
    %get3A_89 = tpu.vector_load %arg5[%get3A_87, %get3A_88] {strides = array<i32>} : memref<32x128xf32, #tpu.memory_space<vmem>>, vector<16xf32>,
    %get3A_90 = arith.constant 22 : i32
    %get3A_91 = arith.index_cast %get3A_90 : i32 to index
    %get3A_92 = arith.constant 0 : index
    %get3A_93 = tpu.vector_load %arg5[%get3A_91, %get3A_92] {strides = array<i32>} : memref<32x128xf32, #tpu.memory_space<vmem>>, vector<16xf32>,
    %get3A_94 = arith.constant 23 : i32
    %get3A_95 = arith.index_cast %get3A_94 : i32 to index
    %get3A_96 = arith.constant 0 : index
    %get3A_97 = tpu.vector_load %arg5[%get3A_95, %get3A_96] {strides = array<i32>} : memref<32x128xf32, #tpu.memory_space<vmem>>, vector<16xf32>,
    %get3A_98 = arith.constant 24 : i32
    %get3A_99 = arith.index_cast %get3A_98 : i32 to index
    %get3A_100 = arith.constant 0 : index
    %get3A_101 = tpu.vector_load %arg5[%get3A_99, %get3A_100] {strides = array<i32>} : memref<32x128xf32, #tpu.memory_space<vmem>>, vector<16xf32>,
    %get3A_102 = arith.constant 25 : i32
    %get3A_103 = arith.index_cast %get3A_102 : i32 to index
    %get3A_104 = arith.constant 0 : index
    %get3A_105 = tpu.vector_load %arg5[%get3A_103, %get3A_104] {strides = array<i32>} : memref<32x128xf32, #tpu.memory_space<vmem>>, vector<16xf32>,
    %get3A_106 = arith.constant 26 : i32
    %get3A_107 = arith.index_cast %get3A_106 : i32 to index
    %get3A_108 = arith.constant 0 : index
    %get3A_109 = tpu.vector_load %arg5[%get3A_107, %get3A_108] {strides = array<i32>} : memref<32x128xf32, #tpu.memory_space<vmem>>, vector<16xf32>,
    %get3A_110 = arith.constant 27 : i32
    %get3A_111 = arith.index_cast %get3A_110 : i32 to index
    %get3A_112 = arith.constant 0 : index
    %get3A_113 = tpu.vector_load %arg5[%get3A_111, %get3A_112] {strides = array<i32>} : memref<32x128xf32, #tpu.memory_space<vmem>>, vector<16xf32>,
    %get3A_114 = arith.constant 28 : i32
    %get3A_115 = arith.index_cast %get3A_114 : i32 to index
    %get3A_116 = arith.constant 0 : index
    %get3A_117 = tpu.vector_load %arg5[%get3A_115, %get3A_116] {strides = array<i32>} : memref<32x128xf32, #tpu.memory_space<vmem>>, vector<16xf32>,
    %get3A_118 = arith.constant 29 : i32
    %get3A_119 = arith.index_cast %get3A_118 : i32 to index
    %get3A_120 = arith.constant 0 : index
    %get3A_121 = tpu.vector_load %arg5[%get3A_119, %get3A_120] {strides = array<i32>} : memref<32x128xf32, #tpu.memory_space<vmem>>, vector<16xf32>,
    %get3A_122 = arith.constant 30 : i32
    %get3A_123 = arith.index_cast %get3A_122 : i32 to index
    %get3A_124 = arith.constant 0 : index
    %get3A_125 = tpu.vector_load %arg5[%get3A_123, %get3A_124] {strides = array<i32>} : memref<32x128xf32, #tpu.memory_space<vmem>>, vector<16xf32>,
    %get3A_126 = arith.constant 31 : i32
    %get3A_127 = arith.index_cast %get3A_126 : i32 to index
    %get3A_128 = arith.constant 0 : index
    %get3A_129 = tpu.vector_load %arg5[%get3A_127, %get3A_128] {strides = array<i32>} : memref<32x128xf32, #tpu.memory_space<vmem>>, vector<16xf32>,
    %shift_right_arithmetic3A = arith.constant 2 : i32
    %shift_right_arithmetic3A_130 = arith.shrsi %mul3A_2, %shift_right_arithmetic3A : i32
    %and3A = arith.constant 3 : i32
    %and3A_131 = arith.andi %mul3A_2, %and3A : i32
    %mul3A_132 = arith.constant 4096 : i32
    %mul3A_133 = arith.muli %and3A_131, %mul3A_132 : i32
    %dma_start3A = arith.constant 0 : i32
    %dma_start3A_134 = arith.constant 0 : i32
    %dma_start3A_135 = arith.constant 0 : i32
    %dma_start3A_136 = tpu.memref_slice %arg6[%dma_start3A_134, %dma_start3A_135] : memref<2x4096xi32, #tpu.memory_space<vmem>> -> memref<1x4096xi32, #tpu.memory_space<vmem>>
    %dma_start3A_137 = tpu.memref_squeeze %dma_start3A_136 : memref<1x4096xi32, #tpu.memory_space<vmem>> -> memref<4096xi32, #tpu.memory_space<vmem>>
    %dma_start3A_138 = tpu.memref_slice %arg2[%shift_right_arithmetic3A_130, %dma_start3A, %mul3A_133] : memref<200x1x16384xi32, #tpu.memory_space<hbm>> -> memref<1x1x4096xi32, #tpu.memory_space<hbm>>
    %dma_start3A_139 = tpu.memref_squeeze %dma_start3A_138 : memref<1x1x4096xi32, #tpu.memory_space<hbm>> -> memref<4096xi32, #tpu.memory_space<hbm>>
    %dma_start3A_140 = arith.constant 0 : i32
    %dma_start3A_141 = tpu.memref_slice %arg6[%dma_start3A_134, %dma_start3A_140] : memref<2x4096xi32, #tpu.memory_space<vmem>> -> memref<1x4096xi32, #tpu.memory_space<vmem>>
    %dma_start3A_142 = tpu.memref_squeeze %dma_start3A_141 : memref<1x4096xi32, #tpu.memory_space<vmem>> -> memref<4096xi32, #tpu.memory_space<vmem>>
    %dma_start3A_143 = tpu.memref_slice %arg2[%shift_right_arithmetic3A_130, %dma_start3A, %mul3A_133] : memref<200x1x16384xi32, #tpu.memory_space<hbm>> -> memref<1x1x4096xi32, #tpu.memory_space<hbm>>
    %dma_start3A_144 = tpu.memref_squeeze %dma_start3A_143 : memref<1x1x4096xi32, #tpu.memory_space<hbm>> -> memref<4096xi32, #tpu.memory_space<hbm>>
    tpu.enqueue_dma source(%dma_start3A_144 : memref<4096xi32, #tpu.memory_space<hbm>>) target(%dma_start3A_142 : memref<4096xi32, #tpu.memory_space<vmem>>) target_semaphore(%arg9 : memref<!tpu.dma_semaphore, #tpu.memory_space<semaphore_mem>>)
    %scan3A = arith.constant 0 : i32
    %scan3A_145 = arith.constant 0 : i32
    %scan3A_146 = arith.constant 25 : i32
    %scan3A_147 = arith.addi %scan3A_145, %scan3A_146 : i32
    %scan3A_148 = arith.constant 1 : i32
    scf.for %scan3A_222 = %scan3A_145 to %scan3A_147 step %scan3A_148  : i32 {
      %add3A_223 = arith.addi %mul3A_2, %scan3A_222 : i32
      %shift_right_arithmetic3A_224 = arith.constant 2 : i32
      %shift_right_arithmetic3A_225 = arith.shrsi %add3A_223, %shift_right_arithmetic3A_224 : i32
      %and3A_226 = arith.constant 3 : i32
      %and3A_227 = arith.andi %add3A_223, %and3A_226 : i32
      %and3A_228 = arith.constant 1 : i32
      %and3A_229 = arith.andi %scan3A_222, %and3A_228 : i32
      %eq3A = arith.constant 0 : i32
      %eq3A_230 = arith.cmpi eq, %and3A_229, %eq3A : i32
      %convert_element_type3A = arith.extui %eq3A_230 : i1 to i32
      %cond3A = arith.constant 0 : i32
      %cond3A_231 = arith.cmpi ne, %convert_element_type3A, %cond3A : i32
      scf.if %cond3A_231 {
        %shift_right_arithmetic3A_509 = arith.constant 2 : i32
        %shift_right_arithmetic3A_510 = arith.shrsi %add3A_223, %shift_right_arithmetic3A_509 : i32
        %and3A_511 = arith.constant 3 : i32
        %and3A_512 = arith.andi %add3A_223, %and3A_511 : i32
        %mul3A_513 = arith.constant 4096 : i32
        %mul3A_514 = arith.muli %and3A_512, %mul3A_513 : i32
        %dma_wait3A_515 = arith.constant 0 : i32
        %dma_wait3A_516 = arith.constant 0 : i32
        %dma_wait3A_517 = arith.constant 0 : i32
        %dma_wait3A_518 = tpu.memref_slice %arg6[%dma_wait3A_516, %dma_wait3A_517] : memref<2x4096xi32, #tpu.memory_space<vmem>> -> memref<1x4096xi32, #tpu.memory_space<vmem>>
        %dma_wait3A_519 = tpu.memref_squeeze %dma_wait3A_518 : memref<1x4096xi32, #tpu.memory_space<vmem>> -> memref<4096xi32, #tpu.memory_space<vmem>>
        %dma_wait3A_520 = tpu.memref_slice %arg2[%shift_right_arithmetic3A_510, %dma_wait3A_515, %mul3A_514] : memref<200x1x16384xi32, #tpu.memory_space<hbm>> -> memref<1x1x4096xi32, #tpu.memory_space<hbm>>
        %dma_wait3A_521 = tpu.memref_squeeze %dma_wait3A_520 : memref<1x1x4096xi32, #tpu.memory_space<hbm>> -> memref<4096xi32, #tpu.memory_space<hbm>>
        %dma_wait3A_522 = arith.constant 0 : i32
        %dma_wait3A_523 = tpu.memref_slice %arg6[%dma_wait3A_516, %dma_wait3A_522] : memref<2x4096xi32, #tpu.memory_space<vmem>> -> memref<1x4096xi32, #tpu.memory_space<vmem>>
        %dma_wait3A_524 = tpu.memref_squeeze %dma_wait3A_523 : memref<1x4096xi32, #tpu.memory_space<vmem>> -> memref<4096xi32, #tpu.memory_space<vmem>>
        %dma_wait3A_525 = tpu.memref_slice %arg2[%shift_right_arithmetic3A_510, %dma_wait3A_515, %mul3A_514] : memref<200x1x16384xi32, #tpu.memory_space<hbm>> -> memref<1x1x4096xi32, #tpu.memory_space<hbm>>
        %dma_wait3A_526 = tpu.memref_squeeze %dma_wait3A_525 : memref<1x1x4096xi32, #tpu.memory_space<hbm>> -> memref<4096xi32, #tpu.memory_space<hbm>>
        tpu.wait_dma2 semaphore(%arg9 : memref<!tpu.dma_semaphore, #tpu.memory_space<semaphore_mem>>) src(%dma_wait3A_526 : memref<4096xi32, #tpu.memory_space<hbm>>) dst(%dma_wait3A_524 : memref<4096xi32, #tpu.memory_space<vmem>>)
      } else {
      }
      %eq3A_232 = arith.constant 1 : i32
      %eq3A_233 = arith.cmpi eq, %and3A_229, %eq3A_232 : i32
      %convert_element_type3A_234 = arith.extui %eq3A_233 : i1 to i32
      %cond3A_235 = arith.constant 0 : i32
      %cond3A_236 = arith.cmpi ne, %convert_element_type3A_234, %cond3A_235 : i32
      scf.if %cond3A_236 {
        %shift_right_arithmetic3A_509 = arith.constant 2 : i32
        %shift_right_arithmetic3A_510 = arith.shrsi %add3A_223, %shift_right_arithmetic3A_509 : i32
        %and3A_511 = arith.constant 3 : i32
        %and3A_512 = arith.andi %add3A_223, %and3A_511 : i32
        %mul3A_513 = arith.constant 4096 : i32
        %mul3A_514 = arith.muli %and3A_512, %mul3A_513 : i32
        %dma_wait3A_515 = arith.constant 0 : i32
        %dma_wait3A_516 = arith.constant 1 : i32
        %dma_wait3A_517 = arith.constant 0 : i32
        %dma_wait3A_518 = tpu.memref_slice %arg6[%dma_wait3A_516, %dma_wait3A_517] : memref<2x4096xi32, #tpu.memory_space<vmem>> -> memref<1x4096xi32, #tpu.memory_space<vmem>>
        %dma_wait3A_519 = tpu.memref_squeeze %dma_wait3A_518 : memref<1x4096xi32, #tpu.memory_space<vmem>> -> memref<4096xi32, #tpu.memory_space<vmem>>
        %dma_wait3A_520 = tpu.memref_slice %arg2[%shift_right_arithmetic3A_510, %dma_wait3A_515, %mul3A_514] : memref<200x1x16384xi32, #tpu.memory_space<hbm>> -> memref<1x1x4096xi32, #tpu.memory_space<hbm>>
        %dma_wait3A_521 = tpu.memref_squeeze %dma_wait3A_520 : memref<1x1x4096xi32, #tpu.memory_space<hbm>> -> memref<4096xi32, #tpu.memory_space<hbm>>
        %dma_wait3A_522 = arith.constant 0 : i32
        %dma_wait3A_523 = tpu.memref_slice %arg6[%dma_wait3A_516, %dma_wait3A_522] : memref<2x4096xi32, #tpu.memory_space<vmem>> -> memref<1x4096xi32, #tpu.memory_space<vmem>>
        %dma_wait3A_524 = tpu.memref_squeeze %dma_wait3A_523 : memref<1x4096xi32, #tpu.memory_space<vmem>> -> memref<4096xi32, #tpu.memory_space<vmem>>
        %dma_wait3A_525 = tpu.memref_slice %arg2[%shift_right_arithmetic3A_510, %dma_wait3A_515, %mul3A_514] : memref<200x1x16384xi32, #tpu.memory_space<hbm>> -> memref<1x1x4096xi32, #tpu.memory_space<hbm>>
        %dma_wait3A_526 = tpu.memref_squeeze %dma_wait3A_525 : memref<1x1x4096xi32, #tpu.memory_space<hbm>> -> memref<4096xi32, #tpu.memory_space<hbm>>
        tpu.wait_dma2 semaphore(%arg10 : memref<!tpu.dma_semaphore, #tpu.memory_space<semaphore_mem>>) src(%dma_wait3A_526 : memref<4096xi32, #tpu.memory_space<hbm>>) dst(%dma_wait3A_524 : memref<4096xi32, #tpu.memory_space<vmem>>)
      } else {
      }
      %add3A_237 = arith.constant 1 : i32
      %add3A_238 = arith.addi %scan3A_222, %add3A_237 : i32
      %lt3A = arith.constant 25 : i32
      %lt3A_239 = arith.cmpi slt, %add3A_238, %lt3A : i32
      %convert_element_type3A_240 = arith.extui %lt3A_239 : i1 to i32
      %cond3A_241 = arith.constant 0 : i32
      %cond3A_242 = arith.cmpi ne, %convert_element_type3A_240, %cond3A_241 : i32
      scf.if %cond3A_242 {
        %eq3A_509 = arith.constant 0 : i32
        %eq3A_510 = arith.cmpi eq, %and3A_229, %eq3A_509 : i32
        %convert_element_type3A_511 = arith.extui %eq3A_510 : i1 to i32
        %cond3A_512 = arith.constant 0 : i32
        %cond3A_513 = arith.cmpi ne, %convert_element_type3A_511, %cond3A_512 : i32
        scf.if %cond3A_513 {
          %add3A_519 = arith.constant 1 : i32
          %add3A_520 = arith.addi %add3A_223, %add3A_519 : i32
          %shift_right_arithmetic3A_521 = arith.constant 2 : i32
          %shift_right_arithmetic3A_522 = arith.shrsi %add3A_520, %shift_right_arithmetic3A_521 : i32
          %and3A_523 = arith.constant 3 : i32
          %and3A_524 = arith.andi %add3A_520, %and3A_523 : i32
          %mul3A_525 = arith.constant 4096 : i32
          %mul3A_526 = arith.muli %and3A_524, %mul3A_525 : i32
          %dma_start3A_527 = arith.constant 0 : i32
          %dma_start3A_528 = arith.constant 1 : i32
          %dma_start3A_529 = arith.constant 0 : i32
          %dma_start3A_530 = tpu.memref_slice %arg6[%dma_start3A_528, %dma_start3A_529] : memref<2x4096xi32, #tpu.memory_space<vmem>> -> memref<1x4096xi32, #tpu.memory_space<vmem>>
          %dma_start3A_531 = tpu.memref_squeeze %dma_start3A_530 : memref<1x4096xi32, #tpu.memory_space<vmem>> -> memref<4096xi32, #tpu.memory_space<vmem>>
          %dma_start3A_532 = tpu.memref_slice %arg2[%shift_right_arithmetic3A_522, %dma_start3A_527, %mul3A_526] : memref<200x1x16384xi32, #tpu.memory_space<hbm>> -> memref<1x1x4096xi32, #tpu.memory_space<hbm>>
          %dma_start3A_533 = tpu.memref_squeeze %dma_start3A_532 : memref<1x1x4096xi32, #tpu.memory_space<hbm>> -> memref<4096xi32, #tpu.memory_space<hbm>>
          %dma_start3A_534 = arith.constant 0 : i32
          %dma_start3A_535 = tpu.memref_slice %arg6[%dma_start3A_528, %dma_start3A_534] : memref<2x4096xi32, #tpu.memory_space<vmem>> -> memref<1x4096xi32, #tpu.memory_space<vmem>>
          %dma_start3A_536 = tpu.memref_squeeze %dma_start3A_535 : memref<1x4096xi32, #tpu.memory_space<vmem>> -> memref<4096xi32, #tpu.memory_space<vmem>>
          %dma_start3A_537 = tpu.memref_slice %arg2[%shift_right_arithmetic3A_522, %dma_start3A_527, %mul3A_526] : memref<200x1x16384xi32, #tpu.memory_space<hbm>> -> memref<1x1x4096xi32, #tpu.memory_space<hbm>>
          %dma_start3A_538 = tpu.memref_squeeze %dma_start3A_537 : memref<1x1x4096xi32, #tpu.memory_space<hbm>> -> memref<4096xi32, #tpu.memory_space<hbm>>
          tpu.enqueue_dma source(%dma_start3A_538 : memref<4096xi32, #tpu.memory_space<hbm>>) target(%dma_start3A_536 : memref<4096xi32, #tpu.memory_space<vmem>>) target_semaphore(%arg10 : memref<!tpu.dma_semaphore, #tpu.memory_space<semaphore_mem>>)
        } else {
        }
        %eq3A_514 = arith.constant 1 : i32
        %eq3A_515 = arith.cmpi eq, %and3A_229, %eq3A_514 : i32
        %convert_element_type3A_516 = arith.extui %eq3A_515 : i1 to i32
        %cond3A_517 = arith.constant 0 : i32
        %cond3A_518 = arith.cmpi ne, %convert_element_type3A_516, %cond3A_517 : i32
        scf.if %cond3A_518 {
          %add3A_519 = arith.constant 1 : i32
          %add3A_520 = arith.addi %add3A_223, %add3A_519 : i32
          %shift_right_arithmetic3A_521 = arith.constant 2 : i32
          %shift_right_arithmetic3A_522 = arith.shrsi %add3A_520, %shift_right_arithmetic3A_521 : i32
          %and3A_523 = arith.constant 3 : i32
          %and3A_524 = arith.andi %add3A_520, %and3A_523 : i32
          %mul3A_525 = arith.constant 4096 : i32
          %mul3A_526 = arith.muli %and3A_524, %mul3A_525 : i32
          %dma_start3A_527 = arith.constant 0 : i32
          %dma_start3A_528 = arith.constant 0 : i32
          %dma_start3A_529 = arith.constant 0 : i32
          %dma_start3A_530 = tpu.memref_slice %arg6[%dma_start3A_528, %dma_start3A_529] : memref<2x4096xi32, #tpu.memory_space<vmem>> -> memref<1x4096xi32, #tpu.memory_space<vmem>>
          %dma_start3A_531 = tpu.memref_squeeze %dma_start3A_530 : memref<1x4096xi32, #tpu.memory_space<vmem>> -> memref<4096xi32, #tpu.memory_space<vmem>>
          %dma_start3A_532 = tpu.memref_slice %arg2[%shift_right_arithmetic3A_522, %dma_start3A_527, %mul3A_526] : memref<200x1x16384xi32, #tpu.memory_space<hbm>> -> memref<1x1x4096xi32, #tpu.memory_space<hbm>>
          %dma_start3A_533 = tpu.memref_squeeze %dma_start3A_532 : memref<1x1x4096xi32, #tpu.memory_space<hbm>> -> memref<4096xi32, #tpu.memory_space<hbm>>
          %dma_start3A_534 = arith.constant 0 : i32
          %dma_start3A_535 = tpu.memref_slice %arg6[%dma_start3A_528, %dma_start3A_534] : memref<2x4096xi32, #tpu.memory_space<vmem>> -> memref<1x4096xi32, #tpu.memory_space<vmem>>
          %dma_start3A_536 = tpu.memref_squeeze %dma_start3A_535 : memref<1x4096xi32, #tpu.memory_space<vmem>> -> memref<4096xi32, #tpu.memory_space<vmem>>
          %dma_start3A_537 = tpu.memref_slice %arg2[%shift_right_arithmetic3A_522, %dma_start3A_527, %mul3A_526] : memref<200x1x16384xi32, #tpu.memory_space<hbm>> -> memref<1x1x4096xi32, #tpu.memory_space<hbm>>
          %dma_start3A_538 = tpu.memref_squeeze %dma_start3A_537 : memref<1x1x4096xi32, #tpu.memory_space<hbm>> -> memref<4096xi32, #tpu.memory_space<hbm>>
          tpu.enqueue_dma source(%dma_start3A_538 : memref<4096xi32, #tpu.memory_space<hbm>>) target(%dma_start3A_536 : memref<4096xi32, #tpu.memory_space<vmem>>) target_semaphore(%arg9 : memref<!tpu.dma_semaphore, #tpu.memory_space<semaphore_mem>>)
        } else {
        }
      } else {
      }
      %mul3A_243 = arith.constant 4 : i32
      %mul3A_244 = arith.muli %scan3A_222, %mul3A_243 : i32
      %add3A_245 = arith.constant 0 : i32
      %add3A_246 = arith.addi %mul3A_244, %add3A_245 : i32
      %mul3A_247 = arith.constant 4 : i32
      %mul3A_248 = arith.muli %scan3A_222, %mul3A_247 : i32
      %add3A_249 = arith.constant 0 : i32
      %add3A_250 = arith.addi %mul3A_248, %add3A_249 : i32
      %jit3A = arith.constant 3 : i32
      %div3A = arith.divsi %add3A_250, %jit3A : i32
      %sign3A = arith.constant 0 : i32
      %sign3A_251 = arith.cmpi sgt, %add3A_250, %sign3A : i32
      %sign3A_252 = arith.extui %sign3A_251 : i1 to i32
      %sign3A_253 = arith.constant 0 : i32
      %sign3A_254 = arith.cmpi slt, %add3A_250, %sign3A_253 : i32
      %sign3A_255 = arith.extui %sign3A_254 : i1 to i32
      %sign3A_256 = arith.subi %sign3A_252, %sign3A_255 : i32
      %sign3A_257 = arith.constant 0 : i32
      %sign3A_258 = arith.cmpi sgt, %jit3A, %sign3A_257 : i32
      %sign3A_259 = arith.extui %sign3A_258 : i1 to i32
      %sign3A_260 = arith.constant 0 : i32
      %sign3A_261 = arith.cmpi slt, %jit3A, %sign3A_260 : i32
      %sign3A_262 = arith.extui %sign3A_261 : i1 to i32
      %sign3A_263 = arith.subi %sign3A_259, %sign3A_262 : i32
      %ne3A = arith.cmpi ne, %sign3A_256, %sign3A_263 : i32
      %rem3A = arith.remsi %add3A_250, %jit3A : i32
      %ne3A_264 = arith.constant 0 : i32
      %ne3A_265 = arith.cmpi ne, %rem3A, %ne3A_264 : i32
      %and3A_266 = arith.andi %ne3A, %ne3A_265 : i1
      %sub3A_267 = arith.constant 1 : i32
      %sub3A_268 = arith.subi %div3A, %sub3A_267 : i32
      %select_n3A = arith.select %and3A_266, %sub3A_268, %div3A : i32
      %mul3A_269 = arith.constant 3 : i32
      %mul3A_270 = arith.muli %select_n3A, %mul3A_269 : i32
      %sub3A_271 = arith.subi %add3A_246, %mul3A_270 : i32
      %mul3A_272 = arith.constant 32 : i32
      %mul3A_273 = arith.muli %and3A_227, %mul3A_272 : i32
      %gt3A = arith.constant 0 : i32
      %gt3A_274 = arith.cmpi sgt, %scan3A_222, %gt3A : i32
      %convert_element_type3A_275 = arith.extui %gt3A_274 : i1 to i32
      %cond3A_276 = arith.constant 0 : i32
      %cond3A_277 = arith.constant 0 : i32
      %cond3A_278 = arith.cmpi ne, %convert_element_type3A_275, %cond3A_277 : i32
      scf.if %cond3A_278 {
        %dma_wait3A_509 = arith.constant 0 : i32
        %dma_wait3A_510 = arith.constant 0 : i32
        %dma_wait3A_511 = arith.constant 0 : i32
        %dma_wait3A_512 = arith.constant 0 : i32
        %dma_wait3A_513 = tpu.memref_slice %arg7[%dma_wait3A_509, %dma_wait3A_510, %dma_wait3A_511, %dma_wait3A_512] : memref<3x32x8x128xf32, #tpu.memory_space<vmem>> -> memref<1x32x8x128xf32, #tpu.memory_space<vmem>>
        %dma_wait3A_514 = tpu.memref_squeeze %dma_wait3A_513 : memref<1x32x8x128xf32, #tpu.memory_space<vmem>> -> memref<32x8x128xf32, #tpu.memory_space<vmem>>
        %dma_wait3A_515 = arith.constant 0 : i32
        %dma_wait3A_516 = arith.constant 0 : i32
        %dma_wait3A_517 = tpu.memref_slice %arg4[%shift_right_arithmetic3A_225, %cond3A_276, %mul3A_273, %dma_wait3A_515, %dma_wait3A_516] : memref<200x4x128x8x128xf32, #tpu.memory_space<hbm>> -> memref<1x1x32x8x128xf32, #tpu.memory_space<hbm>>
        %dma_wait3A_518 = tpu.memref_squeeze %dma_wait3A_517 : memref<1x1x32x8x128xf32, #tpu.memory_space<hbm>> -> memref<32x8x128xf32, #tpu.memory_space<hbm>>
        %dma_wait3A_519 = arith.constant 0 : i32
        %dma_wait3A_520 = arith.constant 0 : i32
        %dma_wait3A_521 = tpu.memref_slice %arg4[%shift_right_arithmetic3A_225, %cond3A_276, %mul3A_273, %dma_wait3A_519, %dma_wait3A_520] : memref<200x4x128x8x128xf32, #tpu.memory_space<hbm>> -> memref<1x1x32x8x128xf32, #tpu.memory_space<hbm>>
        %dma_wait3A_522 = tpu.memref_squeeze %dma_wait3A_521 : memref<1x1x32x8x128xf32, #tpu.memory_space<hbm>> -> memref<32x8x128xf32, #tpu.memory_space<hbm>>
        %dma_wait3A_523 = arith.constant 0 : i32
        %dma_wait3A_524 = arith.constant 0 : i32
        %dma_wait3A_525 = arith.constant 0 : i32
        %dma_wait3A_526 = tpu.memref_slice %arg7[%dma_wait3A_509, %dma_wait3A_523, %dma_wait3A_524, %dma_wait3A_525] : memref<3x32x8x128xf32, #tpu.memory_space<vmem>> -> memref<1x32x8x128xf32, #tpu.memory_space<vmem>>
        %dma_wait3A_527 = tpu.memref_squeeze %dma_wait3A_526 : memref<1x32x8x128xf32, #tpu.memory_space<vmem>> -> memref<32x8x128xf32, #tpu.memory_space<vmem>>
        tpu.wait_dma2 semaphore(%arg8 : memref<!tpu.dma_semaphore, #tpu.memory_space<semaphore_mem>>) src(%dma_wait3A_527 : memref<32x8x128xf32, #tpu.memory_space<vmem>>) dst(%dma_wait3A_522 : memref<32x8x128xf32, #tpu.memory_space<hbm>>)
      } else {
      }
      %parallel_loop3A = arith.constant 0 : i32
      %parallel_loop3A_279 = arith.constant 256 : i32
      %parallel_loop3A_280 = arith.constant 1 : i32
      scf.for %parallel_loop3A_509 = %parallel_loop3A to %parallel_loop3A_279 step %parallel_loop3A_280  : i32 {
        %parallel_loop3A_510 = arith.constant 16 : i32
        %parallel_loop3A_511 = arith.muli %parallel_loop3A_509, %parallel_loop3A_510 : i32
        %parallel_loop3A_512 = arith.index_cast %and3A_229 : i32 to index
        %parallel_loop3A_513 = arith.index_cast %parallel_loop3A_511 : i32 to index
        %parallel_loop3A_514 = tpu.vector_load %arg6[%parallel_loop3A_512, %parallel_loop3A_513] {strides = array<i32>} : memref<2x4096xi32, #tpu.memory_space<vmem>>, vector<16xi32>,
        %parallel_loop3A_515 = arith.constant 3 : i32
        %parallel_loop3A_516 = arith.shrsi %parallel_loop3A_509, %parallel_loop3A_515 : i32
        %parallel_loop3A_517 = arith.constant 7 : i32
        %parallel_loop3A_518 = arith.andi %parallel_loop3A_509, %parallel_loop3A_517 : i32
        %parallel_loop3A_519 = arith.constant 16 : i32
        %parallel_loop3A_520 = arith.muli %parallel_loop3A_518, %parallel_loop3A_519 : i32
        %parallel_loop3A_521 = vector.shape_cast %parallel_loop3A_514 : vector<16xi32> to vector<16x1xi32>
        %parallel_loop3A_522 = vector.shape_cast %parallel_loop3A_521 : vector<16x1xi32> to vector<16xi32>
        %parallel_loop3A_523 = tpu.dynamic_gather %get3A_5[%parallel_loop3A_522] in [0] : vector<16xf32>, vector<16xi32> -> vector<16xf32>
        %parallel_loop3A_524 = arith.constant 0 : i32
        %parallel_loop3A_525 = arith.index_cast %sub3A_271 : i32 to index
        %parallel_loop3A_526 = arith.index_cast %parallel_loop3A_516 : i32 to index
        %parallel_loop3A_527 = arith.index_cast %parallel_loop3A_524 : i32 to index
        %parallel_loop3A_528 = arith.index_cast %parallel_loop3A_520 : i32 to index
        %parallel_loop3A_529 = tpu.vector_load %arg7[%parallel_loop3A_525, %parallel_loop3A_526, %parallel_loop3A_527, %parallel_loop3A_528] {strides = array<i32>} : memref<3x32x8x128xf32, #tpu.memory_space<vmem>>, vector<16xf32>,
        tpu.vector_store %arg7[%parallel_loop3A_525, %parallel_loop3A_526, %parallel_loop3A_527, %parallel_loop3A_528], %parallel_loop3A_523 {strides = array<i32>} : memref<3x32x8x128xf32, #tpu.memory_space<vmem>>, vector<16xf32>,
        %parallel_loop3A_530 = vector.shape_cast %parallel_loop3A_514 : vector<16xi32> to vector<16x1xi32>
        %parallel_loop3A_531 = vector.shape_cast %parallel_loop3A_530 : vector<16x1xi32> to vector<16xi32>
        %parallel_loop3A_532 = tpu.dynamic_gather %get3A_9[%parallel_loop3A_531] in [0] : vector<16xf32>, vector<16xi32> -> vector<16xf32>
        %parallel_loop3A_533 = arith.constant 1 : i32
        %parallel_loop3A_534 = arith.index_cast %sub3A_271 : i32 to index
        %parallel_loop3A_535 = arith.index_cast %parallel_loop3A_516 : i32 to index
        %parallel_loop3A_536 = arith.index_cast %parallel_loop3A_533 : i32 to index
        %parallel_loop3A_537 = arith.index_cast %parallel_loop3A_520 : i32 to index
        %parallel_loop3A_538 = tpu.vector_load %arg7[%parallel_loop3A_534, %parallel_loop3A_535, %parallel_loop3A_536, %parallel_loop3A_537] {strides = array<i32>} : memref<3x32x8x128xf32, #tpu.memory_space<vmem>>, vector<16xf32>,
        tpu.vector_store %arg7[%parallel_loop3A_534, %parallel_loop3A_535, %parallel_loop3A_536, %parallel_loop3A_537], %parallel_loop3A_532 {strides = array<i32>} : memref<3x32x8x128xf32, #tpu.memory_space<vmem>>, vector<16xf32>,
        %parallel_loop3A_539 = vector.shape_cast %parallel_loop3A_514 : vector<16xi32> to vector<16x1xi32>
        %parallel_loop3A_540 = vector.shape_cast %parallel_loop3A_539 : vector<16x1xi32> to vector<16xi32>
        %parallel_loop3A_541 = tpu.dynamic_gather %get3A_13[%parallel_loop3A_540] in [0] : vector<16xf32>, vector<16xi32> -> vector<16xf32>
        %parallel_loop3A_542 = arith.constant 2 : i32
        %parallel_loop3A_543 = arith.index_cast %sub3A_271 : i32 to index
        %parallel_loop3A_544 = arith.index_cast %parallel_loop3A_516 : i32 to index
        %parallel_loop3A_545 = arith.index_cast %parallel_loop3A_542 : i32 to index
        %parallel_loop3A_546 = arith.index_cast %parallel_loop3A_520 : i32 to index
        %parallel_loop3A_547 = tpu.vector_load %arg7[%parallel_loop3A_543, %parallel_loop3A_544, %parallel_loop3A_545, %parallel_loop3A_546] {strides = array<i32>} : memref<3x32x8x128xf32, #tpu.memory_space<vmem>>, vector<16xf32>,
        tpu.vector_store %arg7[%parallel_loop3A_543, %parallel_loop3A_544, %parallel_loop3A_545, %parallel_loop3A_546], %parallel_loop3A_541 {strides = array<i32>} : memref<3x32x8x128xf32, #tpu.memory_space<vmem>>, vector<16xf32>,
        %parallel_loop3A_548 = vector.shape_cast %parallel_loop3A_514 : vector<16xi32> to vector<16x1xi32>
        %parallel_loop3A_549 = vector.shape_cast %parallel_loop3A_548 : vector<16x1xi32> to vector<16xi32>
        %parallel_loop3A_550 = tpu.dynamic_gather %get3A_17[%parallel_loop3A_549] in [0] : vector<16xf32>, vector<16xi32> -> vector<16xf32>
        %parallel_loop3A_551 = arith.constant 3 : i32
        %parallel_loop3A_552 = arith.index_cast %sub3A_271 : i32 to index
        %parallel_loop3A_553 = arith.index_cast %parallel_loop3A_516 : i32 to index
        %parallel_loop3A_554 = arith.index_cast %parallel_loop3A_551 : i32 to index
        %parallel_loop3A_555 = arith.index_cast %parallel_loop3A_520 : i32 to index
        %parallel_loop3A_556 = tpu.vector_load %arg7[%parallel_loop3A_552, %parallel_loop3A_553, %parallel_loop3A_554, %parallel_loop3A_555] {strides = array<i32>} : memref<3x32x8x128xf32, #tpu.memory_space<vmem>>, vector<16xf32>,
        tpu.vector_store %arg7[%parallel_loop3A_552, %parallel_loop3A_553, %parallel_loop3A_554, %parallel_loop3A_555], %parallel_loop3A_550 {strides = array<i32>} : memref<3x32x8x128xf32, #tpu.memory_space<vmem>>, vector<16xf32>,
        %parallel_loop3A_557 = vector.shape_cast %parallel_loop3A_514 : vector<16xi32> to vector<16x1xi32>
        %parallel_loop3A_558 = vector.shape_cast %parallel_loop3A_557 : vector<16x1xi32> to vector<16xi32>
        %parallel_loop3A_559 = tpu.dynamic_gather %get3A_21[%parallel_loop3A_558] in [0] : vector<16xf32>, vector<16xi32> -> vector<16xf32>
        %parallel_loop3A_560 = arith.constant 4 : i32
        %parallel_loop3A_561 = arith.index_cast %sub3A_271 : i32 to index
        %parallel_loop3A_562 = arith.index_cast %parallel_loop3A_516 : i32 to index
        %parallel_loop3A_563 = arith.index_cast %parallel_loop3A_560 : i32 to index
        %parallel_loop3A_564 = arith.index_cast %parallel_loop3A_520 : i32 to index
        %parallel_loop3A_565 = tpu.vector_load %arg7[%parallel_loop3A_561, %parallel_loop3A_562, %parallel_loop3A_563, %parallel_loop3A_564] {strides = array<i32>} : memref<3x32x8x128xf32, #tpu.memory_space<vmem>>, vector<16xf32>,
        tpu.vector_store %arg7[%parallel_loop3A_561, %parallel_loop3A_562, %parallel_loop3A_563, %parallel_loop3A_564], %parallel_loop3A_559 {strides = array<i32>} : memref<3x32x8x128xf32, #tpu.memory_space<vmem>>, vector<16xf32>,
        %parallel_loop3A_566 = vector.shape_cast %parallel_loop3A_514 : vector<16xi32> to vector<16x1xi32>
        %parallel_loop3A_567 = vector.shape_cast %parallel_loop3A_566 : vector<16x1xi32> to vector<16xi32>
        %parallel_loop3A_568 = tpu.dynamic_gather %get3A_25[%parallel_loop3A_567] in [0] : vector<16xf32>, vector<16xi32> -> vector<16xf32>
        %parallel_loop3A_569 = arith.constant 5 : i32
        %parallel_loop3A_570 = arith.index_cast %sub3A_271 : i32 to index
        %parallel_loop3A_571 = arith.index_cast %parallel_loop3A_516 : i32 to index
        %parallel_loop3A_572 = arith.index_cast %parallel_loop3A_569 : i32 to index
        %parallel_loop3A_573 = arith.index_cast %parallel_loop3A_520 : i32 to index
        %parallel_loop3A_574 = tpu.vector_load %arg7[%parallel_loop3A_570, %parallel_loop3A_571, %parallel_loop3A_572, %parallel_loop3A_573] {strides = array<i32>} : memref<3x32x8x128xf32, #tpu.memory_space<vmem>>, vector<16xf32>,
        tpu.vector_store %arg7[%parallel_loop3A_570, %parallel_loop3A_571, %parallel_loop3A_572, %parallel_loop3A_573], %parallel_loop3A_568 {strides = array<i32>} : memref<3x32x8x128xf32, #tpu.memory_space<vmem>>, vector<16xf32>,
        %parallel_loop3A_575 = vector.shape_cast %parallel_loop3A_514 : vector<16xi32> to vector<16x1xi32>
        %parallel_loop3A_576 = vector.shape_cast %parallel_loop3A_575 : vector<16x1xi32> to vector<16xi32>
        %parallel_loop3A_577 = tpu.dynamic_gather %get3A_29[%parallel_loop3A_576] in [0] : vector<16xf32>, vector<16xi32> -> vector<16xf32>
        %parallel_loop3A_578 = arith.constant 6 : i32
        %parallel_loop3A_579 = arith.index_cast %sub3A_271 : i32 to index
        %parallel_loop3A_580 = arith.index_cast %parallel_loop3A_516 : i32 to index
        %parallel_loop3A_581 = arith.index_cast %parallel_loop3A_578 : i32 to index
        %parallel_loop3A_582 = arith.index_cast %parallel_loop3A_520 : i32 to index
        %parallel_loop3A_583 = tpu.vector_load %arg7[%parallel_loop3A_579, %parallel_loop3A_580, %parallel_loop3A_581, %parallel_loop3A_582] {strides = array<i32>} : memref<3x32x8x128xf32, #tpu.memory_space<vmem>>, vector<16xf32>,
        tpu.vector_store %arg7[%parallel_loop3A_579, %parallel_loop3A_580, %parallel_loop3A_581, %parallel_loop3A_582], %parallel_loop3A_577 {strides = array<i32>} : memref<3x32x8x128xf32, #tpu.memory_space<vmem>>, vector<16xf32>,
        %parallel_loop3A_584 = vector.shape_cast %parallel_loop3A_514 : vector<16xi32> to vector<16x1xi32>
        %parallel_loop3A_585 = vector.shape_cast %parallel_loop3A_584 : vector<16x1xi32> to vector<16xi32>
        %parallel_loop3A_586 = tpu.dynamic_gather %get3A_33[%parallel_loop3A_585] in [0] : vector<16xf32>, vector<16xi32> -> vector<16xf32>
        %parallel_loop3A_587 = arith.constant 7 : i32
        %parallel_loop3A_588 = arith.index_cast %sub3A_271 : i32 to index
        %parallel_loop3A_589 = arith.index_cast %parallel_loop3A_516 : i32 to index
        %parallel_loop3A_590 = arith.index_cast %parallel_loop3A_587 : i32 to index
        %parallel_loop3A_591 = arith.index_cast %parallel_loop3A_520 : i32 to index
        %parallel_loop3A_592 = tpu.vector_load %arg7[%parallel_loop3A_588, %parallel_loop3A_589, %parallel_loop3A_590, %parallel_loop3A_591] {strides = array<i32>} : memref<3x32x8x128xf32, #tpu.memory_space<vmem>>, vector<16xf32>,
        tpu.vector_store %arg7[%parallel_loop3A_588, %parallel_loop3A_589, %parallel_loop3A_590, %parallel_loop3A_591], %parallel_loop3A_586 {strides = array<i32>} : memref<3x32x8x128xf32, #tpu.memory_space<vmem>>, vector<16xf32>,
      } {sc.loop_unroll_factor = 2 : i64, sc.parallel_access}
      %dma_start3A_281 = arith.constant 0 : i32
      %dma_start3A_282 = arith.constant 0 : i32
      %dma_start3A_283 = arith.constant 0 : i32
      %dma_start3A_284 = arith.constant 0 : i32
      %dma_start3A_285 = tpu.memref_slice %arg7[%sub3A_271, %dma_start3A_282, %dma_start3A_283, %dma_start3A_284] : memref<3x32x8x128xf32, #tpu.memory_space<vmem>> -> memref<1x32x8x128xf32, #tpu.memory_space<vmem>>
      %dma_start3A_286 = tpu.memref_squeeze %dma_start3A_285 : memref<1x32x8x128xf32, #tpu.memory_space<vmem>> -> memref<32x8x128xf32, #tpu.memory_space<vmem>>
      %dma_start3A_287 = arith.constant 0 : i32
      %dma_start3A_288 = arith.constant 0 : i32
      %dma_start3A_289 = tpu.memref_slice %arg4[%shift_right_arithmetic3A_225, %dma_start3A_281, %mul3A_273, %dma_start3A_287, %dma_start3A_288] : memref<200x4x128x8x128xf32, #tpu.memory_space<hbm>> -> memref<1x1x32x8x128xf32, #tpu.memory_space<hbm>>
      %dma_start3A_290 = tpu.memref_squeeze %dma_start3A_289 : memref<1x1x32x8x128xf32, #tpu.memory_space<hbm>> -> memref<32x8x128xf32, #tpu.memory_space<hbm>>
      %dma_start3A_291 = arith.constant 0 : i32
      %dma_start3A_292 = arith.constant 0 : i32
      %dma_start3A_293 = tpu.memref_slice %arg4[%shift_right_arithmetic3A_225, %dma_start3A_281, %mul3A_273, %dma_start3A_291, %dma_start3A_292] : memref<200x4x128x8x128xf32, #tpu.memory_space<hbm>> -> memref<1x1x32x8x128xf32, #tpu.memory_space<hbm>>
      %dma_start3A_294 = tpu.memref_squeeze %dma_start3A_293 : memref<1x1x32x8x128xf32, #tpu.memory_space<hbm>> -> memref<32x8x128xf32, #tpu.memory_space<hbm>>
      %dma_start3A_295 = arith.constant 0 : i32
      %dma_start3A_296 = arith.constant 0 : i32
      %dma_start3A_297 = arith.constant 0 : i32
      %dma_start3A_298 = tpu.memref_slice %arg7[%sub3A_271, %dma_start3A_295, %dma_start3A_296, %dma_start3A_297] : memref<3x32x8x128xf32, #tpu.memory_space<vmem>> -> memref<1x32x8x128xf32, #tpu.memory_space<vmem>>
      %dma_start3A_299 = tpu.memref_squeeze %dma_start3A_298 : memref<1x32x8x128xf32, #tpu.memory_space<vmem>> -> memref<32x8x128xf32, #tpu.memory_space<vmem>>
      tpu.enqueue_dma source(%dma_start3A_299 : memref<32x8x128xf32, #tpu.memory_space<vmem>>) target(%dma_start3A_294 : memref<32x8x128xf32, #tpu.memory_space<hbm>>) target_semaphore(%arg8 : memref<!tpu.dma_semaphore, #tpu.memory_space<semaphore_mem>>)
      %mul3A_300 = arith.constant 4 : i32
      %mul3A_301 = arith.muli %scan3A_222, %mul3A_300 : i32
      %add3A_302 = arith.constant 1 : i32
      %add3A_303 = arith.addi %mul3A_301, %add3A_302 : i32
      %mul3A_304 = arith.constant 4 : i32
      %mul3A_305 = arith.muli %scan3A_222, %mul3A_304 : i32
      %add3A_306 = arith.constant 1 : i32
      %add3A_307 = arith.addi %mul3A_305, %add3A_306 : i32
      %jit3A_308 = arith.constant 3 : i32
      %div3A_309 = arith.divsi %add3A_307, %jit3A_308 : i32
      %sign3A_310 = arith.constant 0 : i32
      %sign3A_311 = arith.cmpi sgt, %add3A_307, %sign3A_310 : i32
      %sign3A_312 = arith.extui %sign3A_311 : i1 to i32
      %sign3A_313 = arith.constant 0 : i32
      %sign3A_314 = arith.cmpi slt, %add3A_307, %sign3A_313 : i32
      %sign3A_315 = arith.extui %sign3A_314 : i1 to i32
      %sign3A_316 = arith.subi %sign3A_312, %sign3A_315 : i32
      %sign3A_317 = arith.constant 0 : i32
      %sign3A_318 = arith.cmpi sgt, %jit3A_308, %sign3A_317 : i32
      %sign3A_319 = arith.extui %sign3A_318 : i1 to i32
      %sign3A_320 = arith.constant 0 : i32
      %sign3A_321 = arith.cmpi slt, %jit3A_308, %sign3A_320 : i32
      %sign3A_322 = arith.extui %sign3A_321 : i1 to i32
      %sign3A_323 = arith.subi %sign3A_319, %sign3A_322 : i32
      %ne3A_324 = arith.cmpi ne, %sign3A_316, %sign3A_323 : i32
      %rem3A_325 = arith.remsi %add3A_307, %jit3A_308 : i32
      %ne3A_326 = arith.constant 0 : i32
      %ne3A_327 = arith.cmpi ne, %rem3A_325, %ne3A_326 : i32
      %and3A_328 = arith.andi %ne3A_324, %ne3A_327 : i1
      %sub3A_329 = arith.constant 1 : i32
      %sub3A_330 = arith.subi %div3A_309, %sub3A_329 : i32
      %select_n3A_331 = arith.select %and3A_328, %sub3A_330, %div3A_309 : i32
      %mul3A_332 = arith.constant 3 : i32
      %mul3A_333 = arith.muli %select_n3A_331, %mul3A_332 : i32
      %sub3A_334 = arith.subi %add3A_303, %mul3A_333 : i32
      %mul3A_335 = arith.constant 32 : i32
      %mul3A_336 = arith.muli %and3A_227, %mul3A_335 : i32
      %gt3A_337 = arith.constant 0 : i32
      %gt3A_338 = arith.cmpi sgt, %scan3A_222, %gt3A_337 : i32
      %convert_element_type3A_339 = arith.extui %gt3A_338 : i1 to i32
      %cond3A_340 = arith.constant 1 : i32
      %cond3A_341 = arith.constant 0 : i32
      %cond3A_342 = arith.cmpi ne, %convert_element_type3A_339, %cond3A_341 : i32
      scf.if %cond3A_342 {
        %dma_wait3A_509 = arith.constant 0 : i32
        %dma_wait3A_510 = arith.constant 0 : i32
        %dma_wait3A_511 = arith.constant 0 : i32
        %dma_wait3A_512 = arith.constant 0 : i32
        %dma_wait3A_513 = tpu.memref_slice %arg7[%dma_wait3A_509, %dma_wait3A_510, %dma_wait3A_511, %dma_wait3A_512] : memref<3x32x8x128xf32, #tpu.memory_space<vmem>> -> memref<1x32x8x128xf32, #tpu.memory_space<vmem>>
        %dma_wait3A_514 = tpu.memref_squeeze %dma_wait3A_513 : memref<1x32x8x128xf32, #tpu.memory_space<vmem>> -> memref<32x8x128xf32, #tpu.memory_space<vmem>>
        %dma_wait3A_515 = arith.constant 0 : i32
        %dma_wait3A_516 = arith.constant 0 : i32
        %dma_wait3A_517 = tpu.memref_slice %arg4[%shift_right_arithmetic3A_225, %cond3A_340, %mul3A_336, %dma_wait3A_515, %dma_wait3A_516] : memref<200x4x128x8x128xf32, #tpu.memory_space<hbm>> -> memref<1x1x32x8x128xf32, #tpu.memory_space<hbm>>
        %dma_wait3A_518 = tpu.memref_squeeze %dma_wait3A_517 : memref<1x1x32x8x128xf32, #tpu.memory_space<hbm>> -> memref<32x8x128xf32, #tpu.memory_space<hbm>>
        %dma_wait3A_519 = arith.constant 0 : i32
        %dma_wait3A_520 = arith.constant 0 : i32
        %dma_wait3A_521 = tpu.memref_slice %arg4[%shift_right_arithmetic3A_225, %cond3A_340, %mul3A_336, %dma_wait3A_519, %dma_wait3A_520] : memref<200x4x128x8x128xf32, #tpu.memory_space<hbm>> -> memref<1x1x32x8x128xf32, #tpu.memory_space<hbm>>
        %dma_wait3A_522 = tpu.memref_squeeze %dma_wait3A_521 : memref<1x1x32x8x128xf32, #tpu.memory_space<hbm>> -> memref<32x8x128xf32, #tpu.memory_space<hbm>>
        %dma_wait3A_523 = arith.constant 0 : i32
        %dma_wait3A_524 = arith.constant 0 : i32
        %dma_wait3A_525 = arith.constant 0 : i32
        %dma_wait3A_526 = tpu.memref_slice %arg7[%dma_wait3A_509, %dma_wait3A_523, %dma_wait3A_524, %dma_wait3A_525] : memref<3x32x8x128xf32, #tpu.memory_space<vmem>> -> memref<1x32x8x128xf32, #tpu.memory_space<vmem>>
        %dma_wait3A_527 = tpu.memref_squeeze %dma_wait3A_526 : memref<1x32x8x128xf32, #tpu.memory_space<vmem>> -> memref<32x8x128xf32, #tpu.memory_space<vmem>>
        tpu.wait_dma2 semaphore(%arg8 : memref<!tpu.dma_semaphore, #tpu.memory_space<semaphore_mem>>) src(%dma_wait3A_527 : memref<32x8x128xf32, #tpu.memory_space<vmem>>) dst(%dma_wait3A_522 : memref<32x8x128xf32, #tpu.memory_space<hbm>>)
      } else {
      }
      %parallel_loop3A_343 = arith.constant 0 : i32
      %parallel_loop3A_344 = arith.constant 256 : i32
      %parallel_loop3A_345 = arith.constant 1 : i32
      scf.for %parallel_loop3A_509 = %parallel_loop3A_343 to %parallel_loop3A_344 step %parallel_loop3A_345  : i32 {
        %parallel_loop3A_510 = arith.constant 16 : i32
        %parallel_loop3A_511 = arith.muli %parallel_loop3A_509, %parallel_loop3A_510 : i32
        %parallel_loop3A_512 = arith.index_cast %and3A_229 : i32 to index
        %parallel_loop3A_513 = arith.index_cast %parallel_loop3A_511 : i32 to index
        %parallel_loop3A_514 = tpu.vector_load %arg6[%parallel_loop3A_512, %parallel_loop3A_513] {strides = array<i32>} : memref<2x4096xi32, #tpu.memory_space<vmem>>, vector<16xi32>,
        %parallel_loop3A_515 = arith.constant 3 : i32
        %parallel_loop3A_516 = arith.shrsi %parallel_loop3A_509, %parallel_loop3A_515 : i32
        %parallel_loop3A_517 = arith.constant 7 : i32
        %parallel_loop3A_518 = arith.andi %parallel_loop3A_509, %parallel_loop3A_517 : i32
        %parallel_loop3A_519 = arith.constant 16 : i32
        %parallel_loop3A_520 = arith.muli %parallel_loop3A_518, %parallel_loop3A_519 : i32
        %parallel_loop3A_521 = vector.shape_cast %parallel_loop3A_514 : vector<16xi32> to vector<16x1xi32>
        %parallel_loop3A_522 = vector.shape_cast %parallel_loop3A_521 : vector<16x1xi32> to vector<16xi32>
        %parallel_loop3A_523 = tpu.dynamic_gather %get3A_37[%parallel_loop3A_522] in [0] : vector<16xf32>, vector<16xi32> -> vector<16xf32>
        %parallel_loop3A_524 = arith.constant 0 : i32
        %parallel_loop3A_525 = arith.index_cast %sub3A_334 : i32 to index
        %parallel_loop3A_526 = arith.index_cast %parallel_loop3A_516 : i32 to index
        %parallel_loop3A_527 = arith.index_cast %parallel_loop3A_524 : i32 to index
        %parallel_loop3A_528 = arith.index_cast %parallel_loop3A_520 : i32 to index
        %parallel_loop3A_529 = tpu.vector_load %arg7[%parallel_loop3A_525, %parallel_loop3A_526, %parallel_loop3A_527, %parallel_loop3A_528] {strides = array<i32>} : memref<3x32x8x128xf32, #tpu.memory_space<vmem>>, vector<16xf32>,
        tpu.vector_store %arg7[%parallel_loop3A_525, %parallel_loop3A_526, %parallel_loop3A_527, %parallel_loop3A_528], %parallel_loop3A_523 {strides = array<i32>} : memref<3x32x8x128xf32, #tpu.memory_space<vmem>>, vector<16xf32>,
        %parallel_loop3A_530 = vector.shape_cast %parallel_loop3A_514 : vector<16xi32> to vector<16x1xi32>
        %parallel_loop3A_531 = vector.shape_cast %parallel_loop3A_530 : vector<16x1xi32> to vector<16xi32>
        %parallel_loop3A_532 = tpu.dynamic_gather %get3A_41[%parallel_loop3A_531] in [0] : vector<16xf32>, vector<16xi32> -> vector<16xf32>
        %parallel_loop3A_533 = arith.constant 1 : i32
        %parallel_loop3A_534 = arith.index_cast %sub3A_334 : i32 to index
        %parallel_loop3A_535 = arith.index_cast %parallel_loop3A_516 : i32 to index
        %parallel_loop3A_536 = arith.index_cast %parallel_loop3A_533 : i32 to index
        %parallel_loop3A_537 = arith.index_cast %parallel_loop3A_520 : i32 to index
        %parallel_loop3A_538 = tpu.vector_load %arg7[%parallel_loop3A_534, %parallel_loop3A_535, %parallel_loop3A_536, %parallel_loop3A_537] {strides = array<i32>} : memref<3x32x8x128xf32, #tpu.memory_space<vmem>>, vector<16xf32>,
        tpu.vector_store %arg7[%parallel_loop3A_534, %parallel_loop3A_535, %parallel_loop3A_536, %parallel_loop3A_537], %parallel_loop3A_532 {strides = array<i32>} : memref<3x32x8x128xf32, #tpu.memory_space<vmem>>, vector<16xf32>,
        %parallel_loop3A_539 = vector.shape_cast %parallel_loop3A_514 : vector<16xi32> to vector<16x1xi32>
        %parallel_loop3A_540 = vector.shape_cast %parallel_loop3A_539 : vector<16x1xi32> to vector<16xi32>
        %parallel_loop3A_541 = tpu.dynamic_gather %get3A_45[%parallel_loop3A_540] in [0] : vector<16xf32>, vector<16xi32> -> vector<16xf32>
        %parallel_loop3A_542 = arith.constant 2 : i32
        %parallel_loop3A_543 = arith.index_cast %sub3A_334 : i32 to index
        %parallel_loop3A_544 = arith.index_cast %parallel_loop3A_516 : i32 to index
        %parallel_loop3A_545 = arith.index_cast %parallel_loop3A_542 : i32 to index
        %parallel_loop3A_546 = arith.index_cast %parallel_loop3A_520 : i32 to index
        %parallel_loop3A_547 = tpu.vector_load %arg7[%parallel_loop3A_543, %parallel_loop3A_544, %parallel_loop3A_545, %parallel_loop3A_546] {strides = array<i32>} : memref<3x32x8x128xf32, #tpu.memory_space<vmem>>, vector<16xf32>,
        tpu.vector_store %arg7[%parallel_loop3A_543, %parallel_loop3A_544, %parallel_loop3A_545, %parallel_loop3A_546], %parallel_loop3A_541 {strides = array<i32>} : memref<3x32x8x128xf32, #tpu.memory_space<vmem>>, vector<16xf32>,
        %parallel_loop3A_548 = vector.shape_cast %parallel_loop3A_514 : vector<16xi32> to vector<16x1xi32>
        %parallel_loop3A_549 = vector.shape_cast %parallel_loop3A_548 : vector<16x1xi32> to vector<16xi32>
        %parallel_loop3A_550 = tpu.dynamic_gather %get3A_49[%parallel_loop3A_549] in [0] : vector<16xf32>, vector<16xi32> -> vector<16xf32>
        %parallel_loop3A_551 = arith.constant 3 : i32
        %parallel_loop3A_552 = arith.index_cast %sub3A_334 : i32 to index
        %parallel_loop3A_553 = arith.index_cast %parallel_loop3A_516 : i32 to index
        %parallel_loop3A_554 = arith.index_cast %parallel_loop3A_551 : i32 to index
        %parallel_loop3A_555 = arith.index_cast %parallel_loop3A_520 : i32 to index
        %parallel_loop3A_556 = tpu.vector_load %arg7[%parallel_loop3A_552, %parallel_loop3A_553, %parallel_loop3A_554, %parallel_loop3A_555] {strides = array<i32>} : memref<3x32x8x128xf32, #tpu.memory_space<vmem>>, vector<16xf32>,
        tpu.vector_store %arg7[%parallel_loop3A_552, %parallel_loop3A_553, %parallel_loop3A_554, %parallel_loop3A_555], %parallel_loop3A_550 {strides = array<i32>} : memref<3x32x8x128xf32, #tpu.memory_space<vmem>>, vector<16xf32>,
        %parallel_loop3A_557 = vector.shape_cast %parallel_loop3A_514 : vector<16xi32> to vector<16x1xi32>
        %parallel_loop3A_558 = vector.shape_cast %parallel_loop3A_557 : vector<16x1xi32> to vector<16xi32>
        %parallel_loop3A_559 = tpu.dynamic_gather %get3A_53[%parallel_loop3A_558] in [0] : vector<16xf32>, vector<16xi32> -> vector<16xf32>
        %parallel_loop3A_560 = arith.constant 4 : i32
        %parallel_loop3A_561 = arith.index_cast %sub3A_334 : i32 to index
        %parallel_loop3A_562 = arith.index_cast %parallel_loop3A_516 : i32 to index
        %parallel_loop3A_563 = arith.index_cast %parallel_loop3A_560 : i32 to index
        %parallel_loop3A_564 = arith.index_cast %parallel_loop3A_520 : i32 to index
        %parallel_loop3A_565 = tpu.vector_load %arg7[%parallel_loop3A_561, %parallel_loop3A_562, %parallel_loop3A_563, %parallel_loop3A_564] {strides = array<i32>} : memref<3x32x8x128xf32, #tpu.memory_space<vmem>>, vector<16xf32>,
        tpu.vector_store %arg7[%parallel_loop3A_561, %parallel_loop3A_562, %parallel_loop3A_563, %parallel_loop3A_564], %parallel_loop3A_559 {strides = array<i32>} : memref<3x32x8x128xf32, #tpu.memory_space<vmem>>, vector<16xf32>,
        %parallel_loop3A_566 = vector.shape_cast %parallel_loop3A_514 : vector<16xi32> to vector<16x1xi32>
        %parallel_loop3A_567 = vector.shape_cast %parallel_loop3A_566 : vector<16x1xi32> to vector<16xi32>
        %parallel_loop3A_568 = tpu.dynamic_gather %get3A_57[%parallel_loop3A_567] in [0] : vector<16xf32>, vector<16xi32> -> vector<16xf32>
        %parallel_loop3A_569 = arith.constant 5 : i32
        %parallel_loop3A_570 = arith.index_cast %sub3A_334 : i32 to index
        %parallel_loop3A_571 = arith.index_cast %parallel_loop3A_516 : i32 to index
        %parallel_loop3A_572 = arith.index_cast %parallel_loop3A_569 : i32 to index
        %parallel_loop3A_573 = arith.index_cast %parallel_loop3A_520 : i32 to index
        %parallel_loop3A_574 = tpu.vector_load %arg7[%parallel_loop3A_570, %parallel_loop3A_571, %parallel_loop3A_572, %parallel_loop3A_573] {strides = array<i32>} : memref<3x32x8x128xf32, #tpu.memory_space<vmem>>, vector<16xf32>,
        tpu.vector_store %arg7[%parallel_loop3A_570, %parallel_loop3A_571, %parallel_loop3A_572, %parallel_loop3A_573], %parallel_loop3A_568 {strides = array<i32>} : memref<3x32x8x128xf32, #tpu.memory_space<vmem>>, vector<16xf32>,
        %parallel_loop3A_575 = vector.shape_cast %parallel_loop3A_514 : vector<16xi32> to vector<16x1xi32>
        %parallel_loop3A_576 = vector.shape_cast %parallel_loop3A_575 : vector<16x1xi32> to vector<16xi32>
        %parallel_loop3A_577 = tpu.dynamic_gather %get3A_61[%parallel_loop3A_576] in [0] : vector<16xf32>, vector<16xi32> -> vector<16xf32>
        %parallel_loop3A_578 = arith.constant 6 : i32
        %parallel_loop3A_579 = arith.index_cast %sub3A_334 : i32 to index
        %parallel_loop3A_580 = arith.index_cast %parallel_loop3A_516 : i32 to index
        %parallel_loop3A_581 = arith.index_cast %parallel_loop3A_578 : i32 to index
        %parallel_loop3A_582 = arith.index_cast %parallel_loop3A_520 : i32 to index
        %parallel_loop3A_583 = tpu.vector_load %arg7[%parallel_loop3A_579, %parallel_loop3A_580, %parallel_loop3A_581, %parallel_loop3A_582] {strides = array<i32>} : memref<3x32x8x128xf32, #tpu.memory_space<vmem>>, vector<16xf32>,
        tpu.vector_store %arg7[%parallel_loop3A_579, %parallel_loop3A_580, %parallel_loop3A_581, %parallel_loop3A_582], %parallel_loop3A_577 {strides = array<i32>} : memref<3x32x8x128xf32, #tpu.memory_space<vmem>>, vector<16xf32>,
        %parallel_loop3A_584 = vector.shape_cast %parallel_loop3A_514 : vector<16xi32> to vector<16x1xi32>
        %parallel_loop3A_585 = vector.shape_cast %parallel_loop3A_584 : vector<16x1xi32> to vector<16xi32>
        %parallel_loop3A_586 = tpu.dynamic_gather %get3A_65[%parallel_loop3A_585] in [0] : vector<16xf32>, vector<16xi32> -> vector<16xf32>
        %parallel_loop3A_587 = arith.constant 7 : i32
        %parallel_loop3A_588 = arith.index_cast %sub3A_334 : i32 to index
        %parallel_loop3A_589 = arith.index_cast %parallel_loop3A_516 : i32 to index
        %parallel_loop3A_590 = arith.index_cast %parallel_loop3A_587 : i32 to index
        %parallel_loop3A_591 = arith.index_cast %parallel_loop3A_520 : i32 to index
        %parallel_loop3A_592 = tpu.vector_load %arg7[%parallel_loop3A_588, %parallel_loop3A_589, %parallel_loop3A_590, %parallel_loop3A_591] {strides = array<i32>} : memref<3x32x8x128xf32, #tpu.memory_space<vmem>>, vector<16xf32>,
        tpu.vector_store %arg7[%parallel_loop3A_588, %parallel_loop3A_589, %parallel_loop3A_590, %parallel_loop3A_591], %parallel_loop3A_586 {strides = array<i32>} : memref<3x32x8x128xf32, #tpu.memory_space<vmem>>, vector<16xf32>,
      } {sc.loop_unroll_factor = 2 : i64, sc.parallel_access}
      %dma_start3A_346 = arith.constant 1 : i32
      %dma_start3A_347 = arith.constant 0 : i32
      %dma_start3A_348 = arith.constant 0 : i32
      %dma_start3A_349 = arith.constant 0 : i32
      %dma_start3A_350 = tpu.memref_slice %arg7[%sub3A_334, %dma_start3A_347, %dma_start3A_348, %dma_start3A_349] : memref<3x32x8x128xf32, #tpu.memory_space<vmem>> -> memref<1x32x8x128xf32, #tpu.memory_space<vmem>>
      %dma_start3A_351 = tpu.memref_squeeze %dma_start3A_350 : memref<1x32x8x128xf32, #tpu.memory_space<vmem>> -> memref<32x8x128xf32, #tpu.memory_space<vmem>>
      %dma_start3A_352 = arith.constant 0 : i32
      %dma_start3A_353 = arith.constant 0 : i32
      %dma_start3A_354 = tpu.memref_slice %arg4[%shift_right_arithmetic3A_225, %dma_start3A_346, %mul3A_336, %dma_start3A_352, %dma_start3A_353] : memref<200x4x128x8x128xf32, #tpu.memory_space<hbm>> -> memref<1x1x32x8x128xf32, #tpu.memory_space<hbm>>
      %dma_start3A_355 = tpu.memref_squeeze %dma_start3A_354 : memref<1x1x32x8x128xf32, #tpu.memory_space<hbm>> -> memref<32x8x128xf32, #tpu.memory_space<hbm>>
      %dma_start3A_356 = arith.constant 0 : i32
      %dma_start3A_357 = arith.constant 0 : i32
      %dma_start3A_358 = tpu.memref_slice %arg4[%shift_right_arithmetic3A_225, %dma_start3A_346, %mul3A_336, %dma_start3A_356, %dma_start3A_357] : memref<200x4x128x8x128xf32, #tpu.memory_space<hbm>> -> memref<1x1x32x8x128xf32, #tpu.memory_space<hbm>>
      %dma_start3A_359 = tpu.memref_squeeze %dma_start3A_358 : memref<1x1x32x8x128xf32, #tpu.memory_space<hbm>> -> memref<32x8x128xf32, #tpu.memory_space<hbm>>
      %dma_start3A_360 = arith.constant 0 : i32
      %dma_start3A_361 = arith.constant 0 : i32
      %dma_start3A_362 = arith.constant 0 : i32
      %dma_start3A_363 = tpu.memref_slice %arg7[%sub3A_334, %dma_start3A_360, %dma_start3A_361, %dma_start3A_362] : memref<3x32x8x128xf32, #tpu.memory_space<vmem>> -> memref<1x32x8x128xf32, #tpu.memory_space<vmem>>
      %dma_start3A_364 = tpu.memref_squeeze %dma_start3A_363 : memref<1x32x8x128xf32, #tpu.memory_space<vmem>> -> memref<32x8x128xf32, #tpu.memory_space<vmem>>
      tpu.enqueue_dma source(%dma_start3A_364 : memref<32x8x128xf32, #tpu.memory_space<vmem>>) target(%dma_start3A_359 : memref<32x8x128xf32, #tpu.memory_space<hbm>>) target_semaphore(%arg8 : memref<!tpu.dma_semaphore, #tpu.memory_space<semaphore_mem>>)
      %mul3A_365 = arith.constant 4 : i32
      %mul3A_366 = arith.muli %scan3A_222, %mul3A_365 : i32
      %add3A_367 = arith.constant 2 : i32
      %add3A_368 = arith.addi %mul3A_366, %add3A_367 : i32
      %mul3A_369 = arith.constant 4 : i32
      %mul3A_370 = arith.muli %scan3A_222, %mul3A_369 : i32
      %add3A_371 = arith.constant 2 : i32
      %add3A_372 = arith.addi %mul3A_370, %add3A_371 : i32
      %jit3A_373 = arith.constant 3 : i32
      %div3A_374 = arith.divsi %add3A_372, %jit3A_373 : i32
      %sign3A_375 = arith.constant 0 : i32
      %sign3A_376 = arith.cmpi sgt, %add3A_372, %sign3A_375 : i32
      %sign3A_377 = arith.extui %sign3A_376 : i1 to i32
      %sign3A_378 = arith.constant 0 : i32
      %sign3A_379 = arith.cmpi slt, %add3A_372, %sign3A_378 : i32
      %sign3A_380 = arith.extui %sign3A_379 : i1 to i32
      %sign3A_381 = arith.subi %sign3A_377, %sign3A_380 : i32
      %sign3A_382 = arith.constant 0 : i32
      %sign3A_383 = arith.cmpi sgt, %jit3A_373, %sign3A_382 : i32
      %sign3A_384 = arith.extui %sign3A_383 : i1 to i32
      %sign3A_385 = arith.constant 0 : i32
      %sign3A_386 = arith.cmpi slt, %jit3A_373, %sign3A_385 : i32
      %sign3A_387 = arith.extui %sign3A_386 : i1 to i32
      %sign3A_388 = arith.subi %sign3A_384, %sign3A_387 : i32
      %ne3A_389 = arith.cmpi ne, %sign3A_381, %sign3A_388 : i32
      %rem3A_390 = arith.remsi %add3A_372, %jit3A_373 : i32
      %ne3A_391 = arith.constant 0 : i32
      %ne3A_392 = arith.cmpi ne, %rem3A_390, %ne3A_391 : i32
      %and3A_393 = arith.andi %ne3A_389, %ne3A_392 : i1
      %sub3A_394 = arith.constant 1 : i32
      %sub3A_395 = arith.subi %div3A_374, %sub3A_394 : i32
      %select_n3A_396 = arith.select %and3A_393, %sub3A_395, %div3A_374 : i32
      %mul3A_397 = arith.constant 3 : i32
      %mul3A_398 = arith.muli %select_n3A_396, %mul3A_397 : i32
      %sub3A_399 = arith.subi %add3A_368, %mul3A_398 : i32
      %mul3A_400 = arith.constant 32 : i32
      %mul3A_401 = arith.muli %and3A_227, %mul3A_400 : i32
      %gt3A_402 = arith.constant 0 : i32
      %gt3A_403 = arith.cmpi sgt, %scan3A_222, %gt3A_402 : i32
      %convert_element_type3A_404 = arith.extui %gt3A_403 : i1 to i32
      %cond3A_405 = arith.constant 2 : i32
      %cond3A_406 = arith.constant 0 : i32
      %cond3A_407 = arith.cmpi ne, %convert_element_type3A_404, %cond3A_406 : i32
      scf.if %cond3A_407 {
        %dma_wait3A_509 = arith.constant 0 : i32
        %dma_wait3A_510 = arith.constant 0 : i32
        %dma_wait3A_511 = arith.constant 0 : i32
        %dma_wait3A_512 = arith.constant 0 : i32
        %dma_wait3A_513 = tpu.memref_slice %arg7[%dma_wait3A_509, %dma_wait3A_510, %dma_wait3A_511, %dma_wait3A_512] : memref<3x32x8x128xf32, #tpu.memory_space<vmem>> -> memref<1x32x8x128xf32, #tpu.memory_space<vmem>>
        %dma_wait3A_514 = tpu.memref_squeeze %dma_wait3A_513 : memref<1x32x8x128xf32, #tpu.memory_space<vmem>> -> memref<32x8x128xf32, #tpu.memory_space<vmem>>
        %dma_wait3A_515 = arith.constant 0 : i32
        %dma_wait3A_516 = arith.constant 0 : i32
        %dma_wait3A_517 = tpu.memref_slice %arg4[%shift_right_arithmetic3A_225, %cond3A_405, %mul3A_401, %dma_wait3A_515, %dma_wait3A_516] : memref<200x4x128x8x128xf32, #tpu.memory_space<hbm>> -> memref<1x1x32x8x128xf32, #tpu.memory_space<hbm>>
        %dma_wait3A_518 = tpu.memref_squeeze %dma_wait3A_517 : memref<1x1x32x8x128xf32, #tpu.memory_space<hbm>> -> memref<32x8x128xf32, #tpu.memory_space<hbm>>
        %dma_wait3A_519 = arith.constant 0 : i32
        %dma_wait3A_520 = arith.constant 0 : i32
        %dma_wait3A_521 = tpu.memref_slice %arg4[%shift_right_arithmetic3A_225, %cond3A_405, %mul3A_401, %dma_wait3A_519, %dma_wait3A_520] : memref<200x4x128x8x128xf32, #tpu.memory_space<hbm>> -> memref<1x1x32x8x128xf32, #tpu.memory_space<hbm>>
        %dma_wait3A_522 = tpu.memref_squeeze %dma_wait3A_521 : memref<1x1x32x8x128xf32, #tpu.memory_space<hbm>> -> memref<32x8x128xf32, #tpu.memory_space<hbm>>
        %dma_wait3A_523 = arith.constant 0 : i32
        %dma_wait3A_524 = arith.constant 0 : i32
        %dma_wait3A_525 = arith.constant 0 : i32
        %dma_wait3A_526 = tpu.memref_slice %arg7[%dma_wait3A_509, %dma_wait3A_523, %dma_wait3A_524, %dma_wait3A_525] : memref<3x32x8x128xf32, #tpu.memory_space<vmem>> -> memref<1x32x8x128xf32, #tpu.memory_space<vmem>>
        %dma_wait3A_527 = tpu.memref_squeeze %dma_wait3A_526 : memref<1x32x8x128xf32, #tpu.memory_space<vmem>> -> memref<32x8x128xf32, #tpu.memory_space<vmem>>
        tpu.wait_dma2 semaphore(%arg8 : memref<!tpu.dma_semaphore, #tpu.memory_space<semaphore_mem>>) src(%dma_wait3A_527 : memref<32x8x128xf32, #tpu.memory_space<vmem>>) dst(%dma_wait3A_522 : memref<32x8x128xf32, #tpu.memory_space<hbm>>)
      } else {
      }
      %parallel_loop3A_408 = arith.constant 0 : i32
      %parallel_loop3A_409 = arith.constant 256 : i32
      %parallel_loop3A_410 = arith.constant 1 : i32
      scf.for %parallel_loop3A_509 = %parallel_loop3A_408 to %parallel_loop3A_409 step %parallel_loop3A_410  : i32 {
        %parallel_loop3A_510 = arith.constant 16 : i32
        %parallel_loop3A_511 = arith.muli %parallel_loop3A_509, %parallel_loop3A_510 : i32
        %parallel_loop3A_512 = arith.index_cast %and3A_229 : i32 to index
        %parallel_loop3A_513 = arith.index_cast %parallel_loop3A_511 : i32 to index
        %parallel_loop3A_514 = tpu.vector_load %arg6[%parallel_loop3A_512, %parallel_loop3A_513] {strides = array<i32>} : memref<2x4096xi32, #tpu.memory_space<vmem>>, vector<16xi32>,
        %parallel_loop3A_515 = arith.constant 3 : i32
        %parallel_loop3A_516 = arith.shrsi %parallel_loop3A_509, %parallel_loop3A_515 : i32
        %parallel_loop3A_517 = arith.constant 7 : i32
        %parallel_loop3A_518 = arith.andi %parallel_loop3A_509, %parallel_loop3A_517 : i32
        %parallel_loop3A_519 = arith.constant 16 : i32
        %parallel_loop3A_520 = arith.muli %parallel_loop3A_518, %parallel_loop3A_519 : i32
        %parallel_loop3A_521 = vector.shape_cast %parallel_loop3A_514 : vector<16xi32> to vector<16x1xi32>
        %parallel_loop3A_522 = vector.shape_cast %parallel_loop3A_521 : vector<16x1xi32> to vector<16xi32>
        %parallel_loop3A_523 = tpu.dynamic_gather %get3A_69[%parallel_loop3A_522] in [0] : vector<16xf32>, vector<16xi32> -> vector<16xf32>
        %parallel_loop3A_524 = arith.constant 0 : i32
        %parallel_loop3A_525 = arith.index_cast %sub3A_399 : i32 to index
        %parallel_loop3A_526 = arith.index_cast %parallel_loop3A_516 : i32 to index
        %parallel_loop3A_527 = arith.index_cast %parallel_loop3A_524 : i32 to index
        %parallel_loop3A_528 = arith.index_cast %parallel_loop3A_520 : i32 to index
        %parallel_loop3A_529 = tpu.vector_load %arg7[%parallel_loop3A_525, %parallel_loop3A_526, %parallel_loop3A_527, %parallel_loop3A_528] {strides = array<i32>} : memref<3x32x8x128xf32, #tpu.memory_space<vmem>>, vector<16xf32>,
        tpu.vector_store %arg7[%parallel_loop3A_525, %parallel_loop3A_526, %parallel_loop3A_527, %parallel_loop3A_528], %parallel_loop3A_523 {strides = array<i32>} : memref<3x32x8x128xf32, #tpu.memory_space<vmem>>, vector<16xf32>,
        %parallel_loop3A_530 = vector.shape_cast %parallel_loop3A_514 : vector<16xi32> to vector<16x1xi32>
        %parallel_loop3A_531 = vector.shape_cast %parallel_loop3A_530 : vector<16x1xi32> to vector<16xi32>
        %parallel_loop3A_532 = tpu.dynamic_gather %get3A_73[%parallel_loop3A_531] in [0] : vector<16xf32>, vector<16xi32> -> vector<16xf32>
        %parallel_loop3A_533 = arith.constant 1 : i32
        %parallel_loop3A_534 = arith.index_cast %sub3A_399 : i32 to index
        %parallel_loop3A_535 = arith.index_cast %parallel_loop3A_516 : i32 to index
        %parallel_loop3A_536 = arith.index_cast %parallel_loop3A_533 : i32 to index
        %parallel_loop3A_537 = arith.index_cast %parallel_loop3A_520 : i32 to index
        %parallel_loop3A_538 = tpu.vector_load %arg7[%parallel_loop3A_534, %parallel_loop3A_535, %parallel_loop3A_536, %parallel_loop3A_537] {strides = array<i32>} : memref<3x32x8x128xf32, #tpu.memory_space<vmem>>, vector<16xf32>,
        tpu.vector_store %arg7[%parallel_loop3A_534, %parallel_loop3A_535, %parallel_loop3A_536, %parallel_loop3A_537], %parallel_loop3A_532 {strides = array<i32>} : memref<3x32x8x128xf32, #tpu.memory_space<vmem>>, vector<16xf32>,
        %parallel_loop3A_539 = vector.shape_cast %parallel_loop3A_514 : vector<16xi32> to vector<16x1xi32>
        %parallel_loop3A_540 = vector.shape_cast %parallel_loop3A_539 : vector<16x1xi32> to vector<16xi32>
        %parallel_loop3A_541 = tpu.dynamic_gather %get3A_77[%parallel_loop3A_540] in [0] : vector<16xf32>, vector<16xi32> -> vector<16xf32>
        %parallel_loop3A_542 = arith.constant 2 : i32
        %parallel_loop3A_543 = arith.index_cast %sub3A_399 : i32 to index
        %parallel_loop3A_544 = arith.index_cast %parallel_loop3A_516 : i32 to index
        %parallel_loop3A_545 = arith.index_cast %parallel_loop3A_542 : i32 to index
        %parallel_loop3A_546 = arith.index_cast %parallel_loop3A_520 : i32 to index
        %parallel_loop3A_547 = tpu.vector_load %arg7[%parallel_loop3A_543, %parallel_loop3A_544, %parallel_loop3A_545, %parallel_loop3A_546] {strides = array<i32>} : memref<3x32x8x128xf32, #tpu.memory_space<vmem>>, vector<16xf32>,
        tpu.vector_store %arg7[%parallel_loop3A_543, %parallel_loop3A_544, %parallel_loop3A_545, %parallel_loop3A_546], %parallel_loop3A_541 {strides = array<i32>} : memref<3x32x8x128xf32, #tpu.memory_space<vmem>>, vector<16xf32>,
        %parallel_loop3A_548 = vector.shape_cast %parallel_loop3A_514 : vector<16xi32> to vector<16x1xi32>
        %parallel_loop3A_549 = vector.shape_cast %parallel_loop3A_548 : vector<16x1xi32> to vector<16xi32>
        %parallel_loop3A_550 = tpu.dynamic_gather %get3A_81[%parallel_loop3A_549] in [0] : vector<16xf32>, vector<16xi32> -> vector<16xf32>
        %parallel_loop3A_551 = arith.constant 3 : i32
        %parallel_loop3A_552 = arith.index_cast %sub3A_399 : i32 to index
        %parallel_loop3A_553 = arith.index_cast %parallel_loop3A_516 : i32 to index
        %parallel_loop3A_554 = arith.index_cast %parallel_loop3A_551 : i32 to index
        %parallel_loop3A_555 = arith.index_cast %parallel_loop3A_520 : i32 to index
        %parallel_loop3A_556 = tpu.vector_load %arg7[%parallel_loop3A_552, %parallel_loop3A_553, %parallel_loop3A_554, %parallel_loop3A_555] {strides = array<i32>} : memref<3x32x8x128xf32, #tpu.memory_space<vmem>>, vector<16xf32>,
        tpu.vector_store %arg7[%parallel_loop3A_552, %parallel_loop3A_553, %parallel_loop3A_554, %parallel_loop3A_555], %parallel_loop3A_550 {strides = array<i32>} : memref<3x32x8x128xf32, #tpu.memory_space<vmem>>, vector<16xf32>,
        %parallel_loop3A_557 = vector.shape_cast %parallel_loop3A_514 : vector<16xi32> to vector<16x1xi32>
        %parallel_loop3A_558 = vector.shape_cast %parallel_loop3A_557 : vector<16x1xi32> to vector<16xi32>
        %parallel_loop3A_559 = tpu.dynamic_gather %get3A_85[%parallel_loop3A_558] in [0] : vector<16xf32>, vector<16xi32> -> vector<16xf32>
        %parallel_loop3A_560 = arith.constant 4 : i32
        %parallel_loop3A_561 = arith.index_cast %sub3A_399 : i32 to index
        %parallel_loop3A_562 = arith.index_cast %parallel_loop3A_516 : i32 to index
        %parallel_loop3A_563 = arith.index_cast %parallel_loop3A_560 : i32 to index
        %parallel_loop3A_564 = arith.index_cast %parallel_loop3A_520 : i32 to index
        %parallel_loop3A_565 = tpu.vector_load %arg7[%parallel_loop3A_561, %parallel_loop3A_562, %parallel_loop3A_563, %parallel_loop3A_564] {strides = array<i32>} : memref<3x32x8x128xf32, #tpu.memory_space<vmem>>, vector<16xf32>,
        tpu.vector_store %arg7[%parallel_loop3A_561, %parallel_loop3A_562, %parallel_loop3A_563, %parallel_loop3A_564], %parallel_loop3A_559 {strides = array<i32>} : memref<3x32x8x128xf32, #tpu.memory_space<vmem>>, vector<16xf32>,
        %parallel_loop3A_566 = vector.shape_cast %parallel_loop3A_514 : vector<16xi32> to vector<16x1xi32>
        %parallel_loop3A_567 = vector.shape_cast %parallel_loop3A_566 : vector<16x1xi32> to vector<16xi32>
        %parallel_loop3A_568 = tpu.dynamic_gather %get3A_89[%parallel_loop3A_567] in [0] : vector<16xf32>, vector<16xi32> -> vector<16xf32>
        %parallel_loop3A_569 = arith.constant 5 : i32
        %parallel_loop3A_570 = arith.index_cast %sub3A_399 : i32 to index
        %parallel_loop3A_571 = arith.index_cast %parallel_loop3A_516 : i32 to index
        %parallel_loop3A_572 = arith.index_cast %parallel_loop3A_569 : i32 to index
        %parallel_loop3A_573 = arith.index_cast %parallel_loop3A_520 : i32 to index
        %parallel_loop3A_574 = tpu.vector_load %arg7[%parallel_loop3A_570, %parallel_loop3A_571, %parallel_loop3A_572, %parallel_loop3A_573] {strides = array<i32>} : memref<3x32x8x128xf32, #tpu.memory_space<vmem>>, vector<16xf32>,
        tpu.vector_store %arg7[%parallel_loop3A_570, %parallel_loop3A_571, %parallel_loop3A_572, %parallel_loop3A_573], %parallel_loop3A_568 {strides = array<i32>} : memref<3x32x8x128xf32, #tpu.memory_space<vmem>>, vector<16xf32>,
        %parallel_loop3A_575 = vector.shape_cast %parallel_loop3A_514 : vector<16xi32> to vector<16x1xi32>
        %parallel_loop3A_576 = vector.shape_cast %parallel_loop3A_575 : vector<16x1xi32> to vector<16xi32>
        %parallel_loop3A_577 = tpu.dynamic_gather %get3A_93[%parallel_loop3A_576] in [0] : vector<16xf32>, vector<16xi32> -> vector<16xf32>
        %parallel_loop3A_578 = arith.constant 6 : i32
        %parallel_loop3A_579 = arith.index_cast %sub3A_399 : i32 to index
        %parallel_loop3A_580 = arith.index_cast %parallel_loop3A_516 : i32 to index
        %parallel_loop3A_581 = arith.index_cast %parallel_loop3A_578 : i32 to index
        %parallel_loop3A_582 = arith.index_cast %parallel_loop3A_520 : i32 to index
        %parallel_loop3A_583 = tpu.vector_load %arg7[%parallel_loop3A_579, %parallel_loop3A_580, %parallel_loop3A_581, %parallel_loop3A_582] {strides = array<i32>} : memref<3x32x8x128xf32, #tpu.memory_space<vmem>>, vector<16xf32>,
        tpu.vector_store %arg7[%parallel_loop3A_579, %parallel_loop3A_580, %parallel_loop3A_581, %parallel_loop3A_582], %parallel_loop3A_577 {strides = array<i32>} : memref<3x32x8x128xf32, #tpu.memory_space<vmem>>, vector<16xf32>,
        %parallel_loop3A_584 = vector.shape_cast %parallel_loop3A_514 : vector<16xi32> to vector<16x1xi32>
        %parallel_loop3A_585 = vector.shape_cast %parallel_loop3A_584 : vector<16x1xi32> to vector<16xi32>
        %parallel_loop3A_586 = tpu.dynamic_gather %get3A_97[%parallel_loop3A_585] in [0] : vector<16xf32>, vector<16xi32> -> vector<16xf32>
        %parallel_loop3A_587 = arith.constant 7 : i32
        %parallel_loop3A_588 = arith.index_cast %sub3A_399 : i32 to index
        %parallel_loop3A_589 = arith.index_cast %parallel_loop3A_516 : i32 to index
        %parallel_loop3A_590 = arith.index_cast %parallel_loop3A_587 : i32 to index
        %parallel_loop3A_591 = arith.index_cast %parallel_loop3A_520 : i32 to index
        %parallel_loop3A_592 = tpu.vector_load %arg7[%parallel_loop3A_588, %parallel_loop3A_589, %parallel_loop3A_590, %parallel_loop3A_591] {strides = array<i32>} : memref<3x32x8x128xf32, #tpu.memory_space<vmem>>, vector<16xf32>,
        tpu.vector_store %arg7[%parallel_loop3A_588, %parallel_loop3A_589, %parallel_loop3A_590, %parallel_loop3A_591], %parallel_loop3A_586 {strides = array<i32>} : memref<3x32x8x128xf32, #tpu.memory_space<vmem>>, vector<16xf32>,
      } {sc.loop_unroll_factor = 2 : i64, sc.parallel_access}
      %dma_start3A_411 = arith.constant 2 : i32
      %dma_start3A_412 = arith.constant 0 : i32
      %dma_start3A_413 = arith.constant 0 : i32
      %dma_start3A_414 = arith.constant 0 : i32
      %dma_start3A_415 = tpu.memref_slice %arg7[%sub3A_399, %dma_start3A_412, %dma_start3A_413, %dma_start3A_414] : memref<3x32x8x128xf32, #tpu.memory_space<vmem>> -> memref<1x32x8x128xf32, #tpu.memory_space<vmem>>
      %dma_start3A_416 = tpu.memref_squeeze %dma_start3A_415 : memref<1x32x8x128xf32, #tpu.memory_space<vmem>> -> memref<32x8x128xf32, #tpu.memory_space<vmem>>
      %dma_start3A_417 = arith.constant 0 : i32
      %dma_start3A_418 = arith.constant 0 : i32
      %dma_start3A_419 = tpu.memref_slice %arg4[%shift_right_arithmetic3A_225, %dma_start3A_411, %mul3A_401, %dma_start3A_417, %dma_start3A_418] : memref<200x4x128x8x128xf32, #tpu.memory_space<hbm>> -> memref<1x1x32x8x128xf32, #tpu.memory_space<hbm>>
      %dma_start3A_420 = tpu.memref_squeeze %dma_start3A_419 : memref<1x1x32x8x128xf32, #tpu.memory_space<hbm>> -> memref<32x8x128xf32, #tpu.memory_space<hbm>>
      %dma_start3A_421 = arith.constant 0 : i32
      %dma_start3A_422 = arith.constant 0 : i32
      %dma_start3A_423 = tpu.memref_slice %arg4[%shift_right_arithmetic3A_225, %dma_start3A_411, %mul3A_401, %dma_start3A_421, %dma_start3A_422] : memref<200x4x128x8x128xf32, #tpu.memory_space<hbm>> -> memref<1x1x32x8x128xf32, #tpu.memory_space<hbm>>
      %dma_start3A_424 = tpu.memref_squeeze %dma_start3A_423 : memref<1x1x32x8x128xf32, #tpu.memory_space<hbm>> -> memref<32x8x128xf32, #tpu.memory_space<hbm>>
      %dma_start3A_425 = arith.constant 0 : i32
      %dma_start3A_426 = arith.constant 0 : i32
      %dma_start3A_427 = arith.constant 0 : i32
      %dma_start3A_428 = tpu.memref_slice %arg7[%sub3A_399, %dma_start3A_425, %dma_start3A_426, %dma_start3A_427] : memref<3x32x8x128xf32, #tpu.memory_space<vmem>> -> memref<1x32x8x128xf32, #tpu.memory_space<vmem>>
      %dma_start3A_429 = tpu.memref_squeeze %dma_start3A_428 : memref<1x32x8x128xf32, #tpu.memory_space<vmem>> -> memref<32x8x128xf32, #tpu.memory_space<vmem>>
      tpu.enqueue_dma source(%dma_start3A_429 : memref<32x8x128xf32, #tpu.memory_space<vmem>>) target(%dma_start3A_424 : memref<32x8x128xf32, #tpu.memory_space<hbm>>) target_semaphore(%arg8 : memref<!tpu.dma_semaphore, #tpu.memory_space<semaphore_mem>>)
      %mul3A_430 = arith.constant 4 : i32
      %mul3A_431 = arith.muli %scan3A_222, %mul3A_430 : i32
      %add3A_432 = arith.constant 3 : i32
      %add3A_433 = arith.addi %mul3A_431, %add3A_432 : i32
      %mul3A_434 = arith.constant 4 : i32
      %mul3A_435 = arith.muli %scan3A_222, %mul3A_434 : i32
      %add3A_436 = arith.constant 3 : i32
      %add3A_437 = arith.addi %mul3A_435, %add3A_436 : i32
      %jit3A_438 = arith.constant 3 : i32
      %div3A_439 = arith.divsi %add3A_437, %jit3A_438 : i32
      %sign3A_440 = arith.constant 0 : i32
      %sign3A_441 = arith.cmpi sgt, %add3A_437, %sign3A_440 : i32
      %sign3A_442 = arith.extui %sign3A_441 : i1 to i32
      %sign3A_443 = arith.constant 0 : i32
      %sign3A_444 = arith.cmpi slt, %add3A_437, %sign3A_443 : i32
      %sign3A_445 = arith.extui %sign3A_444 : i1 to i32
      %sign3A_446 = arith.subi %sign3A_442, %sign3A_445 : i32
      %sign3A_447 = arith.constant 0 : i32
      %sign3A_448 = arith.cmpi sgt, %jit3A_438, %sign3A_447 : i32
      %sign3A_449 = arith.extui %sign3A_448 : i1 to i32
      %sign3A_450 = arith.constant 0 : i32
      %sign3A_451 = arith.cmpi slt, %jit3A_438, %sign3A_450 : i32
      %sign3A_452 = arith.extui %sign3A_451 : i1 to i32
      %sign3A_453 = arith.subi %sign3A_449, %sign3A_452 : i32
      %ne3A_454 = arith.cmpi ne, %sign3A_446, %sign3A_453 : i32
      %rem3A_455 = arith.remsi %add3A_437, %jit3A_438 : i32
      %ne3A_456 = arith.constant 0 : i32
      %ne3A_457 = arith.cmpi ne, %rem3A_455, %ne3A_456 : i32
      %and3A_458 = arith.andi %ne3A_454, %ne3A_457 : i1
      %sub3A_459 = arith.constant 1 : i32
      %sub3A_460 = arith.subi %div3A_439, %sub3A_459 : i32
      %select_n3A_461 = arith.select %and3A_458, %sub3A_460, %div3A_439 : i32
      %mul3A_462 = arith.constant 3 : i32
      %mul3A_463 = arith.muli %select_n3A_461, %mul3A_462 : i32
      %sub3A_464 = arith.subi %add3A_433, %mul3A_463 : i32
      %mul3A_465 = arith.constant 32 : i32
      %mul3A_466 = arith.muli %and3A_227, %mul3A_465 : i32
      %dma_wait3A_467 = arith.constant 0 : i32
      %dma_wait3A_468 = arith.constant 3 : i32
      %dma_wait3A_469 = arith.constant 0 : i32
      %dma_wait3A_470 = arith.constant 0 : i32
      %dma_wait3A_471 = arith.constant 0 : i32
      %dma_wait3A_472 = tpu.memref_slice %arg7[%dma_wait3A_467, %dma_wait3A_469, %dma_wait3A_470, %dma_wait3A_471] : memref<3x32x8x128xf32, #tpu.memory_space<vmem>> -> memref<1x32x8x128xf32, #tpu.memory_space<vmem>>
      %dma_wait3A_473 = tpu.memref_squeeze %dma_wait3A_472 : memref<1x32x8x128xf32, #tpu.memory_space<vmem>> -> memref<32x8x128xf32, #tpu.memory_space<vmem>>
      %dma_wait3A_474 = arith.constant 0 : i32
      %dma_wait3A_475 = arith.constant 0 : i32
      %dma_wait3A_476 = tpu.memref_slice %arg4[%shift_right_arithmetic3A_225, %dma_wait3A_468, %mul3A_466, %dma_wait3A_474, %dma_wait3A_475] : memref<200x4x128x8x128xf32, #tpu.memory_space<hbm>> -> memref<1x1x32x8x128xf32, #tpu.memory_space<hbm>>
      %dma_wait3A_477 = tpu.memref_squeeze %dma_wait3A_476 : memref<1x1x32x8x128xf32, #tpu.memory_space<hbm>> -> memref<32x8x128xf32, #tpu.memory_space<hbm>>
      %dma_wait3A_478 = arith.constant 0 : i32
      %dma_wait3A_479 = arith.constant 0 : i32
      %dma_wait3A_480 = tpu.memref_slice %arg4[%shift_right_arithmetic3A_225, %dma_wait3A_468, %mul3A_466, %dma_wait3A_478, %dma_wait3A_479] : memref<200x4x128x8x128xf32, #tpu.memory_space<hbm>> -> memref<1x1x32x8x128xf32, #tpu.memory_space<hbm>>
      %dma_wait3A_481 = tpu.memref_squeeze %dma_wait3A_480 : memref<1x1x32x8x128xf32, #tpu.memory_space<hbm>> -> memref<32x8x128xf32, #tpu.memory_space<hbm>>
      %dma_wait3A_482 = arith.constant 0 : i32
      %dma_wait3A_483 = arith.constant 0 : i32
      %dma_wait3A_484 = arith.constant 0 : i32
      %dma_wait3A_485 = tpu.memref_slice %arg7[%dma_wait3A_467, %dma_wait3A_482, %dma_wait3A_483, %dma_wait3A_484] : memref<3x32x8x128xf32, #tpu.memory_space<vmem>> -> memref<1x32x8x128xf32, #tpu.memory_space<vmem>>
      %dma_wait3A_486 = tpu.memref_squeeze %dma_wait3A_485 : memref<1x32x8x128xf32, #tpu.memory_space<vmem>> -> memref<32x8x128xf32, #tpu.memory_space<vmem>>
      tpu.wait_dma2 semaphore(%arg8 : memref<!tpu.dma_semaphore, #tpu.memory_space<semaphore_mem>>) src(%dma_wait3A_486 : memref<32x8x128xf32, #tpu.memory_space<vmem>>) dst(%dma_wait3A_481 : memref<32x8x128xf32, #tpu.memory_space<hbm>>)
      %parallel_loop3A_487 = arith.constant 0 : i32
      %parallel_loop3A_488 = arith.constant 256 : i32
      %parallel_loop3A_489 = arith.constant 1 : i32
      scf.for %parallel_loop3A_509 = %parallel_loop3A_487 to %parallel_loop3A_488 step %parallel_loop3A_489  : i32 {
        %parallel_loop3A_510 = arith.constant 16 : i32
        %parallel_loop3A_511 = arith.muli %parallel_loop3A_509, %parallel_loop3A_510 : i32
        %parallel_loop3A_512 = arith.index_cast %and3A_229 : i32 to index
        %parallel_loop3A_513 = arith.index_cast %parallel_loop3A_511 : i32 to index
        %parallel_loop3A_514 = tpu.vector_load %arg6[%parallel_loop3A_512, %parallel_loop3A_513] {strides = array<i32>} : memref<2x4096xi32, #tpu.memory_space<vmem>>, vector<16xi32>,
        %parallel_loop3A_515 = arith.constant 3 : i32
        %parallel_loop3A_516 = arith.shrsi %parallel_loop3A_509, %parallel_loop3A_515 : i32
        %parallel_loop3A_517 = arith.constant 7 : i32
        %parallel_loop3A_518 = arith.andi %parallel_loop3A_509, %parallel_loop3A_517 : i32
        %parallel_loop3A_519 = arith.constant 16 : i32
        %parallel_loop3A_520 = arith.muli %parallel_loop3A_518, %parallel_loop3A_519 : i32
        %parallel_loop3A_521 = vector.shape_cast %parallel_loop3A_514 : vector<16xi32> to vector<16x1xi32>
        %parallel_loop3A_522 = vector.shape_cast %parallel_loop3A_521 : vector<16x1xi32> to vector<16xi32>
        %parallel_loop3A_523 = tpu.dynamic_gather %get3A_101[%parallel_loop3A_522] in [0] : vector<16xf32>, vector<16xi32> -> vector<16xf32>
        %parallel_loop3A_524 = arith.constant 0 : i32
        %parallel_loop3A_525 = arith.index_cast %sub3A_464 : i32 to index
        %parallel_loop3A_526 = arith.index_cast %parallel_loop3A_516 : i32 to index
        %parallel_loop3A_527 = arith.index_cast %parallel_loop3A_524 : i32 to index
        %parallel_loop3A_528 = arith.index_cast %parallel_loop3A_520 : i32 to index
        %parallel_loop3A_529 = tpu.vector_load %arg7[%parallel_loop3A_525, %parallel_loop3A_526, %parallel_loop3A_527, %parallel_loop3A_528] {strides = array<i32>} : memref<3x32x8x128xf32, #tpu.memory_space<vmem>>, vector<16xf32>,
        tpu.vector_store %arg7[%parallel_loop3A_525, %parallel_loop3A_526, %parallel_loop3A_527, %parallel_loop3A_528], %parallel_loop3A_523 {strides = array<i32>} : memref<3x32x8x128xf32, #tpu.memory_space<vmem>>, vector<16xf32>,
        %parallel_loop3A_530 = vector.shape_cast %parallel_loop3A_514 : vector<16xi32> to vector<16x1xi32>
        %parallel_loop3A_531 = vector.shape_cast %parallel_loop3A_530 : vector<16x1xi32> to vector<16xi32>
        %parallel_loop3A_532 = tpu.dynamic_gather %get3A_105[%parallel_loop3A_531] in [0] : vector<16xf32>, vector<16xi32> -> vector<16xf32>
        %parallel_loop3A_533 = arith.constant 1 : i32
        %parallel_loop3A_534 = arith.index_cast %sub3A_464 : i32 to index
        %parallel_loop3A_535 = arith.index_cast %parallel_loop3A_516 : i32 to index
        %parallel_loop3A_536 = arith.index_cast %parallel_loop3A_533 : i32 to index
        %parallel_loop3A_537 = arith.index_cast %parallel_loop3A_520 : i32 to index
        %parallel_loop3A_538 = tpu.vector_load %arg7[%parallel_loop3A_534, %parallel_loop3A_535, %parallel_loop3A_536, %parallel_loop3A_537] {strides = array<i32>} : memref<3x32x8x128xf32, #tpu.memory_space<vmem>>, vector<16xf32>,
        tpu.vector_store %arg7[%parallel_loop3A_534, %parallel_loop3A_535, %parallel_loop3A_536, %parallel_loop3A_537], %parallel_loop3A_532 {strides = array<i32>} : memref<3x32x8x128xf32, #tpu.memory_space<vmem>>, vector<16xf32>,
        %parallel_loop3A_539 = vector.shape_cast %parallel_loop3A_514 : vector<16xi32> to vector<16x1xi32>
        %parallel_loop3A_540 = vector.shape_cast %parallel_loop3A_539 : vector<16x1xi32> to vector<16xi32>
        %parallel_loop3A_541 = tpu.dynamic_gather %get3A_109[%parallel_loop3A_540] in [0] : vector<16xf32>, vector<16xi32> -> vector<16xf32>
        %parallel_loop3A_542 = arith.constant 2 : i32
        %parallel_loop3A_543 = arith.index_cast %sub3A_464 : i32 to index
        %parallel_loop3A_544 = arith.index_cast %parallel_loop3A_516 : i32 to index
        %parallel_loop3A_545 = arith.index_cast %parallel_loop3A_542 : i32 to index
        %parallel_loop3A_546 = arith.index_cast %parallel_loop3A_520 : i32 to index
        %parallel_loop3A_547 = tpu.vector_load %arg7[%parallel_loop3A_543, %parallel_loop3A_544, %parallel_loop3A_545, %parallel_loop3A_546] {strides = array<i32>} : memref<3x32x8x128xf32, #tpu.memory_space<vmem>>, vector<16xf32>,
        tpu.vector_store %arg7[%parallel_loop3A_543, %parallel_loop3A_544, %parallel_loop3A_545, %parallel_loop3A_546], %parallel_loop3A_541 {strides = array<i32>} : memref<3x32x8x128xf32, #tpu.memory_space<vmem>>, vector<16xf32>,
        %parallel_loop3A_548 = vector.shape_cast %parallel_loop3A_514 : vector<16xi32> to vector<16x1xi32>
        %parallel_loop3A_549 = vector.shape_cast %parallel_loop3A_548 : vector<16x1xi32> to vector<16xi32>
        %parallel_loop3A_550 = tpu.dynamic_gather %get3A_113[%parallel_loop3A_549] in [0] : vector<16xf32>, vector<16xi32> -> vector<16xf32>
        %parallel_loop3A_551 = arith.constant 3 : i32
        %parallel_loop3A_552 = arith.index_cast %sub3A_464 : i32 to index
        %parallel_loop3A_553 = arith.index_cast %parallel_loop3A_516 : i32 to index
        %parallel_loop3A_554 = arith.index_cast %parallel_loop3A_551 : i32 to index
        %parallel_loop3A_555 = arith.index_cast %parallel_loop3A_520 : i32 to index
        %parallel_loop3A_556 = tpu.vector_load %arg7[%parallel_loop3A_552, %parallel_loop3A_553, %parallel_loop3A_554, %parallel_loop3A_555] {strides = array<i32>} : memref<3x32x8x128xf32, #tpu.memory_space<vmem>>, vector<16xf32>,
        tpu.vector_store %arg7[%parallel_loop3A_552, %parallel_loop3A_553, %parallel_loop3A_554, %parallel_loop3A_555], %parallel_loop3A_550 {strides = array<i32>} : memref<3x32x8x128xf32, #tpu.memory_space<vmem>>, vector<16xf32>,
        %parallel_loop3A_557 = vector.shape_cast %parallel_loop3A_514 : vector<16xi32> to vector<16x1xi32>
        %parallel_loop3A_558 = vector.shape_cast %parallel_loop3A_557 : vector<16x1xi32> to vector<16xi32>
        %parallel_loop3A_559 = tpu.dynamic_gather %get3A_117[%parallel_loop3A_558] in [0] : vector<16xf32>, vector<16xi32> -> vector<16xf32>
        %parallel_loop3A_560 = arith.constant 4 : i32
        %parallel_loop3A_561 = arith.index_cast %sub3A_464 : i32 to index
        %parallel_loop3A_562 = arith.index_cast %parallel_loop3A_516 : i32 to index
        %parallel_loop3A_563 = arith.index_cast %parallel_loop3A_560 : i32 to index
        %parallel_loop3A_564 = arith.index_cast %parallel_loop3A_520 : i32 to index
        %parallel_loop3A_565 = tpu.vector_load %arg7[%parallel_loop3A_561, %parallel_loop3A_562, %parallel_loop3A_563, %parallel_loop3A_564] {strides = array<i32>} : memref<3x32x8x128xf32, #tpu.memory_space<vmem>>, vector<16xf32>,
        tpu.vector_store %arg7[%parallel_loop3A_561, %parallel_loop3A_562, %parallel_loop3A_563, %parallel_loop3A_564], %parallel_loop3A_559 {strides = array<i32>} : memref<3x32x8x128xf32, #tpu.memory_space<vmem>>, vector<16xf32>,
        %parallel_loop3A_566 = vector.shape_cast %parallel_loop3A_514 : vector<16xi32> to vector<16x1xi32>
        %parallel_loop3A_567 = vector.shape_cast %parallel_loop3A_566 : vector<16x1xi32> to vector<16xi32>
        %parallel_loop3A_568 = tpu.dynamic_gather %get3A_121[%parallel_loop3A_567] in [0] : vector<16xf32>, vector<16xi32> -> vector<16xf32>
        %parallel_loop3A_569 = arith.constant 5 : i32
        %parallel_loop3A_570 = arith.index_cast %sub3A_464 : i32 to index
        %parallel_loop3A_571 = arith.index_cast %parallel_loop3A_516 : i32 to index
        %parallel_loop3A_572 = arith.index_cast %parallel_loop3A_569 : i32 to index
        %parallel_loop3A_573 = arith.index_cast %parallel_loop3A_520 : i32 to index
        %parallel_loop3A_574 = tpu.vector_load %arg7[%parallel_loop3A_570, %parallel_loop3A_571, %parallel_loop3A_572, %parallel_loop3A_573] {strides = array<i32>} : memref<3x32x8x128xf32, #tpu.memory_space<vmem>>, vector<16xf32>,
        tpu.vector_store %arg7[%parallel_loop3A_570, %parallel_loop3A_571, %parallel_loop3A_572, %parallel_loop3A_573], %parallel_loop3A_568 {strides = array<i32>} : memref<3x32x8x128xf32, #tpu.memory_space<vmem>>, vector<16xf32>,
        %parallel_loop3A_575 = vector.shape_cast %parallel_loop3A_514 : vector<16xi32> to vector<16x1xi32>
        %parallel_loop3A_576 = vector.shape_cast %parallel_loop3A_575 : vector<16x1xi32> to vector<16xi32>
        %parallel_loop3A_577 = tpu.dynamic_gather %get3A_125[%parallel_loop3A_576] in [0] : vector<16xf32>, vector<16xi32> -> vector<16xf32>
        %parallel_loop3A_578 = arith.constant 6 : i32
        %parallel_loop3A_579 = arith.index_cast %sub3A_464 : i32 to index
        %parallel_loop3A_580 = arith.index_cast %parallel_loop3A_516 : i32 to index
        %parallel_loop3A_581 = arith.index_cast %parallel_loop3A_578 : i32 to index
        %parallel_loop3A_582 = arith.index_cast %parallel_loop3A_520 : i32 to index
        %parallel_loop3A_583 = tpu.vector_load %arg7[%parallel_loop3A_579, %parallel_loop3A_580, %parallel_loop3A_581, %parallel_loop3A_582] {strides = array<i32>} : memref<3x32x8x128xf32, #tpu.memory_space<vmem>>, vector<16xf32>,
        tpu.vector_store %arg7[%parallel_loop3A_579, %parallel_loop3A_580, %parallel_loop3A_581, %parallel_loop3A_582], %parallel_loop3A_577 {strides = array<i32>} : memref<3x32x8x128xf32, #tpu.memory_space<vmem>>, vector<16xf32>,
        %parallel_loop3A_584 = vector.shape_cast %parallel_loop3A_514 : vector<16xi32> to vector<16x1xi32>
        %parallel_loop3A_585 = vector.shape_cast %parallel_loop3A_584 : vector<16x1xi32> to vector<16xi32>
        %parallel_loop3A_586 = tpu.dynamic_gather %get3A_129[%parallel_loop3A_585] in [0] : vector<16xf32>, vector<16xi32> -> vector<16xf32>
        %parallel_loop3A_587 = arith.constant 7 : i32
        %parallel_loop3A_588 = arith.index_cast %sub3A_464 : i32 to index
        %parallel_loop3A_589 = arith.index_cast %parallel_loop3A_516 : i32 to index
        %parallel_loop3A_590 = arith.index_cast %parallel_loop3A_587 : i32 to index
        %parallel_loop3A_591 = arith.index_cast %parallel_loop3A_520 : i32 to index
        %parallel_loop3A_592 = tpu.vector_load %arg7[%parallel_loop3A_588, %parallel_loop3A_589, %parallel_loop3A_590, %parallel_loop3A_591] {strides = array<i32>} : memref<3x32x8x128xf32, #tpu.memory_space<vmem>>, vector<16xf32>,
        tpu.vector_store %arg7[%parallel_loop3A_588, %parallel_loop3A_589, %parallel_loop3A_590, %parallel_loop3A_591], %parallel_loop3A_586 {strides = array<i32>} : memref<3x32x8x128xf32, #tpu.memory_space<vmem>>, vector<16xf32>,
      } {sc.loop_unroll_factor = 2 : i64, sc.parallel_access}
      %dma_start3A_490 = arith.constant 3 : i32
      %dma_start3A_491 = arith.constant 0 : i32
      %dma_start3A_492 = arith.constant 0 : i32
      %dma_start3A_493 = arith.constant 0 : i32
      %dma_start3A_494 = tpu.memref_slice %arg7[%sub3A_464, %dma_start3A_491, %dma_start3A_492, %dma_start3A_493] : memref<3x32x8x128xf32, #tpu.memory_space<vmem>> -> memref<1x32x8x128xf32, #tpu.memory_space<vmem>>
      %dma_start3A_495 = tpu.memref_squeeze %dma_start3A_494 : memref<1x32x8x128xf32, #tpu.memory_space<vmem>> -> memref<32x8x128xf32, #tpu.memory_space<vmem>>
      %dma_start3A_496 = arith.constant 0 : i32
      %dma_start3A_497 = arith.constant 0 : i32
      %dma_start3A_498 = tpu.memref_slice %arg4[%shift_right_arithmetic3A_225, %dma_start3A_490, %mul3A_466, %dma_start3A_496, %dma_start3A_497] : memref<200x4x128x8x128xf32, #tpu.memory_space<hbm>> -> memref<1x1x32x8x128xf32, #tpu.memory_space<hbm>>
      %dma_start3A_499 = tpu.memref_squeeze %dma_start3A_498 : memref<1x1x32x8x128xf32, #tpu.memory_space<hbm>> -> memref<32x8x128xf32, #tpu.memory_space<hbm>>
      %dma_start3A_500 = arith.constant 0 : i32
      %dma_start3A_501 = arith.constant 0 : i32
      %dma_start3A_502 = tpu.memref_slice %arg4[%shift_right_arithmetic3A_225, %dma_start3A_490, %mul3A_466, %dma_start3A_500, %dma_start3A_501] : memref<200x4x128x8x128xf32, #tpu.memory_space<hbm>> -> memref<1x1x32x8x128xf32, #tpu.memory_space<hbm>>
      %dma_start3A_503 = tpu.memref_squeeze %dma_start3A_502 : memref<1x1x32x8x128xf32, #tpu.memory_space<hbm>> -> memref<32x8x128xf32, #tpu.memory_space<hbm>>
      %dma_start3A_504 = arith.constant 0 : i32
      %dma_start3A_505 = arith.constant 0 : i32
      %dma_start3A_506 = arith.constant 0 : i32
      %dma_start3A_507 = tpu.memref_slice %arg7[%sub3A_464, %dma_start3A_504, %dma_start3A_505, %dma_start3A_506] : memref<3x32x8x128xf32, #tpu.memory_space<vmem>> -> memref<1x32x8x128xf32, #tpu.memory_space<vmem>>
      %dma_start3A_508 = tpu.memref_squeeze %dma_start3A_507 : memref<1x32x8x128xf32, #tpu.memory_space<vmem>> -> memref<32x8x128xf32, #tpu.memory_space<vmem>>
      tpu.enqueue_dma source(%dma_start3A_508 : memref<32x8x128xf32, #tpu.memory_space<vmem>>) target(%dma_start3A_503 : memref<32x8x128xf32, #tpu.memory_space<hbm>>) target_semaphore(%arg8 : memref<!tpu.dma_semaphore, #tpu.memory_space<semaphore_mem>>)
    }
    %scan3A_149 = arith.constant 25 : i32
    %add3A_150 = arith.constant 25 : i32
    %add3A_151 = arith.addi %mul3A_2, %add3A_150 : i32
    %sub3A = arith.constant 1 : i32
    %sub3A_152 = arith.subi %add3A_151, %sub3A : i32
    %shift_right_arithmetic3A_153 = arith.constant 2 : i32
    %shift_right_arithmetic3A_154 = arith.shrsi %sub3A_152, %shift_right_arithmetic3A_153 : i32
    %and3A_155 = arith.constant 3 : i32
    %and3A_156 = arith.andi %sub3A_152, %and3A_155 : i32
    %mul3A_157 = arith.constant 32 : i32
    %mul3A_158 = arith.muli %and3A_156, %mul3A_157 : i32
    %dma_wait3A = arith.constant 0 : i32
    %dma_wait3A_159 = arith.constant 3 : i32
    %dma_wait3A_160 = arith.constant 0 : i32
    %dma_wait3A_161 = arith.constant 0 : i32
    %dma_wait3A_162 = arith.constant 0 : i32
    %dma_wait3A_163 = tpu.memref_slice %arg7[%dma_wait3A, %dma_wait3A_160, %dma_wait3A_161, %dma_wait3A_162] : memref<3x32x8x128xf32, #tpu.memory_space<vmem>> -> memref<1x32x8x128xf32, #tpu.memory_space<vmem>>
    %dma_wait3A_164 = tpu.memref_squeeze %dma_wait3A_163 : memref<1x32x8x128xf32, #tpu.memory_space<vmem>> -> memref<32x8x128xf32, #tpu.memory_space<vmem>>
    %dma_wait3A_165 = arith.constant 0 : i32
    %dma_wait3A_166 = arith.constant 0 : i32
    %dma_wait3A_167 = tpu.memref_slice %arg4[%shift_right_arithmetic3A_154, %dma_wait3A_159, %mul3A_158, %dma_wait3A_165, %dma_wait3A_166] : memref<200x4x128x8x128xf32, #tpu.memory_space<hbm>> -> memref<1x1x32x8x128xf32, #tpu.memory_space<hbm>>
    %dma_wait3A_168 = tpu.memref_squeeze %dma_wait3A_167 : memref<1x1x32x8x128xf32, #tpu.memory_space<hbm>> -> memref<32x8x128xf32, #tpu.memory_space<hbm>>
    %dma_wait3A_169 = arith.constant 0 : i32
    %dma_wait3A_170 = arith.constant 0 : i32
    %dma_wait3A_171 = tpu.memref_slice %arg4[%shift_right_arithmetic3A_154, %dma_wait3A_159, %mul3A_158, %dma_wait3A_169, %dma_wait3A_170] : memref<200x4x128x8x128xf32, #tpu.memory_space<hbm>> -> memref<1x1x32x8x128xf32, #tpu.memory_space<hbm>>
    %dma_wait3A_172 = tpu.memref_squeeze %dma_wait3A_171 : memref<1x1x32x8x128xf32, #tpu.memory_space<hbm>> -> memref<32x8x128xf32, #tpu.memory_space<hbm>>
    %dma_wait3A_173 = arith.constant 0 : i32
    %dma_wait3A_174 = arith.constant 0 : i32
    %dma_wait3A_175 = arith.constant 0 : i32
    %dma_wait3A_176 = tpu.memref_slice %arg7[%dma_wait3A, %dma_wait3A_173, %dma_wait3A_174, %dma_wait3A_175] : memref<3x32x8x128xf32, #tpu.memory_space<vmem>> -> memref<1x32x8x128xf32, #tpu.memory_space<vmem>>
    %dma_wait3A_177 = tpu.memref_squeeze %dma_wait3A_176 : memref<1x32x8x128xf32, #tpu.memory_space<vmem>> -> memref<32x8x128xf32, #tpu.memory_space<vmem>>
    tpu.wait_dma2 semaphore(%arg8 : memref<!tpu.dma_semaphore, #tpu.memory_space<semaphore_mem>>) src(%dma_wait3A_177 : memref<32x8x128xf32, #tpu.memory_space<vmem>>) dst(%dma_wait3A_172 : memref<32x8x128xf32, #tpu.memory_space<hbm>>)
    %mul3A_178 = arith.constant 32 : i32
    %mul3A_179 = arith.muli %and3A_156, %mul3A_178 : i32
    %dma_wait3A_180 = arith.constant 0 : i32
    %dma_wait3A_181 = arith.constant 3 : i32
    %dma_wait3A_182 = arith.constant 0 : i32
    %dma_wait3A_183 = arith.constant 0 : i32
    %dma_wait3A_184 = arith.constant 0 : i32
    %dma_wait3A_185 = tpu.memref_slice %arg7[%dma_wait3A_180, %dma_wait3A_182, %dma_wait3A_183, %dma_wait3A_184] : memref<3x32x8x128xf32, #tpu.memory_space<vmem>> -> memref<1x32x8x128xf32, #tpu.memory_space<vmem>>
    %dma_wait3A_186 = tpu.memref_squeeze %dma_wait3A_185 : memref<1x32x8x128xf32, #tpu.memory_space<vmem>> -> memref<32x8x128xf32, #tpu.memory_space<vmem>>
    %dma_wait3A_187 = arith.constant 0 : i32
    %dma_wait3A_188 = arith.constant 0 : i32
    %dma_wait3A_189 = tpu.memref_slice %arg4[%shift_right_arithmetic3A_154, %dma_wait3A_181, %mul3A_179, %dma_wait3A_187, %dma_wait3A_188] : memref<200x4x128x8x128xf32, #tpu.memory_space<hbm>> -> memref<1x1x32x8x128xf32, #tpu.memory_space<hbm>>
    %dma_wait3A_190 = tpu.memref_squeeze %dma_wait3A_189 : memref<1x1x32x8x128xf32, #tpu.memory_space<hbm>> -> memref<32x8x128xf32, #tpu.memory_space<hbm>>
    %dma_wait3A_191 = arith.constant 0 : i32
    %dma_wait3A_192 = arith.constant 0 : i32
    %dma_wait3A_193 = tpu.memref_slice %arg4[%shift_right_arithmetic3A_154, %dma_wait3A_181, %mul3A_179, %dma_wait3A_191, %dma_wait3A_192] : memref<200x4x128x8x128xf32, #tpu.memory_space<hbm>> -> memref<1x1x32x8x128xf32, #tpu.memory_space<hbm>>
    %dma_wait3A_194 = tpu.memref_squeeze %dma_wait3A_193 : memref<1x1x32x8x128xf32, #tpu.memory_space<hbm>> -> memref<32x8x128xf32, #tpu.memory_space<hbm>>
    %dma_wait3A_195 = arith.constant 0 : i32
    %dma_wait3A_196 = arith.constant 0 : i32
    %dma_wait3A_197 = arith.constant 0 : i32
    %dma_wait3A_198 = tpu.memref_slice %arg7[%dma_wait3A_180, %dma_wait3A_195, %dma_wait3A_196, %dma_wait3A_197] : memref<3x32x8x128xf32, #tpu.memory_space<vmem>> -> memref<1x32x8x128xf32, #tpu.memory_space<vmem>>
    %dma_wait3A_199 = tpu.memref_squeeze %dma_wait3A_198 : memref<1x32x8x128xf32, #tpu.memory_space<vmem>> -> memref<32x8x128xf32, #tpu.memory_space<vmem>>
    tpu.wait_dma2 semaphore(%arg8 : memref<!tpu.dma_semaphore, #tpu.memory_space<semaphore_mem>>) src(%dma_wait3A_199 : memref<32x8x128xf32, #tpu.memory_space<vmem>>) dst(%dma_wait3A_194 : memref<32x8x128xf32, #tpu.memory_space<hbm>>)
    %mul3A_200 = arith.constant 32 : i32
    %mul3A_201 = arith.muli %and3A_156, %mul3A_200 : i32
    %dma_wait3A_202 = arith.constant 0 : i32
    %dma_wait3A_203 = arith.constant 3 : i32
    %dma_wait3A_204 = arith.constant 0 : i32
    %dma_wait3A_205 = arith.constant 0 : i32
    %dma_wait3A_206 = arith.constant 0 : i32
    %dma_wait3A_207 = tpu.memref_slice %arg7[%dma_wait3A_202, %dma_wait3A_204, %dma_wait3A_205, %dma_wait3A_206] : memref<3x32x8x128xf32, #tpu.memory_space<vmem>> -> memref<1x32x8x128xf32, #tpu.memory_space<vmem>>
    %dma_wait3A_208 = tpu.memref_squeeze %dma_wait3A_207 : memref<1x32x8x128xf32, #tpu.memory_space<vmem>> -> memref<32x8x128xf32, #tpu.memory_space<vmem>>
    %dma_wait3A_209 = arith.constant 0 : i32
    %dma_wait3A_210 = arith.constant 0 : i32
    %dma_wait3A_211 = tpu.memref_slice %arg4[%shift_right_arithmetic3A_154, %dma_wait3A_203, %mul3A_201, %dma_wait3A_209, %dma_wait3A_210] : memref<200x4x128x8x128xf32, #tpu.memory_space<hbm>> -> memref<1x1x32x8x128xf32, #tpu.memory_space<hbm>>
    %dma_wait3A_212 = tpu.memref_squeeze %dma_wait3A_211 : memref<1x1x32x8x128xf32, #tpu.memory_space<hbm>> -> memref<32x8x128xf32, #tpu.memory_space<hbm>>
    %dma_wait3A_213 = arith.constant 0 : i32
    %dma_wait3A_214 = arith.constant 0 : i32
    %dma_wait3A_215 = tpu.memref_slice %arg4[%shift_right_arithmetic3A_154, %dma_wait3A_203, %mul3A_201, %dma_wait3A_213, %dma_wait3A_214] : memref<200x4x128x8x128xf32, #tpu.memory_space<hbm>> -> memref<1x1x32x8x128xf32, #tpu.memory_space<hbm>>
    %dma_wait3A_216 = tpu.memref_squeeze %dma_wait3A_215 : memref<1x1x32x8x128xf32, #tpu.memory_space<hbm>> -> memref<32x8x128xf32, #tpu.memory_space<hbm>>
    %dma_wait3A_217 = arith.constant 0 : i32
    %dma_wait3A_218 = arith.constant 0 : i32
    %dma_wait3A_219 = arith.constant 0 : i32
    %dma_wait3A_220 = tpu.memref_slice %arg7[%dma_wait3A_202, %dma_wait3A_217, %dma_wait3A_218, %dma_wait3A_219] : memref<3x32x8x128xf32, #tpu.memory_space<vmem>> -> memref<1x32x8x128xf32, #tpu.memory_space<vmem>>
    %dma_wait3A_221 = tpu.memref_squeeze %dma_wait3A_220 : memref<1x32x8x128xf32, #tpu.memory_space<vmem>> -> memref<32x8x128xf32, #tpu.memory_space<vmem>>
    tpu.wait_dma2 semaphore(%arg8 : memref<!tpu.dma_semaphore, #tpu.memory_space<semaphore_mem>>) src(%dma_wait3A_221 : memref<32x8x128xf32, #tpu.memory_space<vmem>>) dst(%dma_wait3A_216 : memref<32x8x128xf32, #tpu.memory_space<hbm>>)
    return
  }
}

</mosaic_0001>

<sc_bundles>
// kernel: kernel.3.cloned.1.call-start
scs
__scs_entry_jumppad:
0x0: {  	(pc) =	sbr.rel $0x88, $3  }
0x1: {  	(tag) =	ssettag $0x0;
	lr =	simm.s32 $0x1  }
0x2: {  	[smem:$0x3F9F] =	sst lr;
	_ =	strace $0xD0000000  }
0x3: {  	_ = 	snop  }
0x4: {  	_ = 	snop  }
0x5: {  	_ = 	snop  }
0x6: {  	_ = 	snop  }
0x7: {  	_ = 	snop  }
__scs_overlays_trampoline_lowered:
0x8: {  	[smem:$0x3FAE] =	sst s0  }
0x9: {  	[smem:$0x3FAF] =	sst s1  }
0xa: {  	[smem:$0x3FB0] =	sst s2  }
0xb: {  	[smem:$0x3FB1] =	sst s3  }
0xc: {  	[smem:$0x3FB2] =	sst s4  }
0xd: {  	[smem:$0x3FB3] =	sst s5  }
0xe: {  	[smem:$0x3FB4] =	sst s6  }
0xf: {  	[smem:$0x3FB5] =	sst s7  }
0x10: {  	[smem:$0x3FB6] =	sst s8  }
0x11: {  	[smem:$0x3FB7] =	sst s9;
	s0 =	simm.s32 @!p0 $0x0  }
0x12: {  	s1 =	sld [smem:$0x3F9D];
	s0 =	simm.s32 @p0 $0x1  }
0x13: {  	[smem:$0x3FB8] =	sst s0;
	s0 =	simm.s32 @!p1 $0x0  }
0x14: {  	s2 =	sld [smem:$0x3F9C];
	s0 =	simm.s32 @p1 $0x1  }
0x15: {  	[smem:$0x3FB9] =	sst s0;
	s0 =	simm.s32 @!p2 $0x0  }
0x16: {  	s3 =	sld [smem:$0x3FDB];
	s0 =	simm.s32 @p2 $0x1  }
0x17: {  	s4 =	simm.s32 $0x1BF5;
	[smem:$0x3FBB] =	sst s0  }
0x18: {  	s0 =	sld [smem:$0x3F9E];
	_ =	swait.ge [sflag:s4], $0x0  }
0x19: {  	s7 =	sld [smem:$0x3F9F]  }
0x1a: {  	s8 =	sadd.s32 $0xFFFFE003, lr  }
0x1b: {  	s9 =	sadd.s32 $0xFFFFFEF7, lr;
	s5 =	simm.s32 $0xFFFFFFFF;
	p2 =	slt.u32 s8, $0xFFFFF086  }
0x1c: {  	p1 =	slt.u32 s9, $0xF7A;
	s5 =	simm.s32 @!p2 $0x0  }
0x1d: {  	s5 =	simm.s32 @p1 $0x1;
	p0 =	seq.s32 s7, s2  }
0x1e: {  	s7 =	smul.u32 @!p0 $0xF7A, s2;
	p2 =	seq.s32 @!p0 s5, $0x0  }
0x1f: {  	s9 =	smul.u32 $0xF7A, s1;
	s8 =	simm.s32 @!p0 $0x1BF5;
	p2 =	por !p2, p0  }
0x20: {  	[sflag:s8] =	ssyncset.s32 @!p0 $0xFFFFF086;
	s6 =	sadd.s32 @!p0 s3, s7;
	s7 =	simm.s32 @!p0 $0x108  }
0x21: {  	s3 =	sadd.s32 s3, s9;
	s6 =	sadd.s32 @!p0 $0x88, s6;
	s7 =	simm.s32 @p2 $0x1082  }
0x22: {  	[simem:s7], [sflag:s8] =	dma.local @!p0 [hbm:s6], $0xF7A  }
0x23: {  	s9 =	sor.u32 $0xD0000000, s2;
	s6 =	simm.s32 $0x108;
	_ =	swait.ge @!p0 [sflag:s8], $0x0  }
0x24: {  	s3 =	sadd.s32 $0x88, s3;
	s6 =	simm.s32 @!p1 $0x1082;
	[sflag:s4] =	ssyncset.s32 $0xFFFFF086  }
0x25: {  	[simem:s6], [sflag:s4] =	dma.local [hbm:s3], $0xF7A  }
0x26: {  	[smem:$0x3F9F] =	sst s1;
	(tag) =	ssettag s2;
	_ =	strace s9  }
0x27: {  	s1 =	sld [smem:$0x3FAF]  }
0x28: {  	s2 =	sld [smem:$0x3FB0]  }
0x29: {  	s4 =	sld [smem:$0x3FB2]  }
0x2a: {  	p0 =	seq.s32 s5, $0x0;
	s5 =	sld [smem:$0x3FB3]  }
0x2b: {  	s6 =	sld [smem:$0x3FB4]  }
0x2c: {  	s7 =	sld [smem:$0x3FB5]  }
0x2d: {  	s3 =	simm.s32 $0x108;
	s8 =	sld [smem:$0x3FB6]  }
0x2e: {  	s3 =	simm.s32 @!p0 $0x1082;
	s9 =	sld [smem:$0x3FB7]  }
0x2f: {  	lr =	sadd.s32 s0, s3;
	s0 =	sld [smem:$0x3FAE]  }
0x30: {  	s3 =	sld [smem:$0x3FB1]  }
0x31: {  	[smem:$0x3FBA] =	sst s10  }
0x32: {  	s10 =	sld [smem:$0x3FB8];
	_ =	sdelay $0x3  }
0x33: {  	p0 =	seq.s32 s10, $0x1;
	s10 =	sld [smem:$0x3FBA];
	_ =	sdelay $0x3  }
0x34: {  	[smem:$0x3FBA] =	sst s10  }
0x35: {  	s10 =	sld [smem:$0x3FB9];
	_ =	sdelay $0x3  }
0x36: {  	p1 =	seq.s32 s10, $0x1;
	s10 =	sld [smem:$0x3FBA];
	_ =	sdelay $0x3  }
0x37: {  	[smem:$0x3FBA] =	sst s10  }
0x38: {  	s10 =	sld [smem:$0x3FBB]  }
0x39: {  	_ = 	snop;
	(pc) =	sbr.ind lr, $3  }
0x3a: {  	_ = 	snop  }
0x3b: {  	_ = 	snop  }
0x3c: {  	p2 =	seq.s32 s10, $0x1;
	s10 =	sld [smem:$0x3FBA]  }
0x3d: {  	_ =	shalt  }
0x3e: {  	_ =	shalt  }
0x3f: {  	_ =	shalt  }
0x40: {  	_ =	shalt  }
0x41: {  	_ =	shalt  }
0x42: {  	_ =	shalt  }
0x43: {  	_ =	shalt  }
0x44: {  	_ =	shalt  }
0x45: {  	_ =	shalt  }
0x46: {  	_ =	shalt  }
0x47: {  	_ =	shalt  }
0x48: {  	_ =	shalt  }
0x49: {  	_ =	shalt  }
0x4a: {  	_ =	shalt  }
0x4b: {  	_ =	shalt  }
0x4c: {  	_ =	shalt  }
0x4d: {  	_ =	shalt  }
0x4e: {  	_ =	shalt  }
0x4f: {  	_ =	shalt  }
0x50: {  	_ =	shalt  }
0x51: {  	_ =	shalt  }
0x52: {  	_ =	shalt  }
0x53: {  	_ =	shalt  }
0x54: {  	_ =	shalt  }
0x55: {  	_ =	shalt  }
0x56: {  	_ =	shalt  }
0x57: {  	_ =	shalt  }
0x58: {  	_ =	shalt  }
0x59: {  	_ =	shalt  }
0x5a: {  	_ =	shalt  }
0x5b: {  	_ =	shalt  }
0x5c: {  	_ =	shalt  }
0x5d: {  	_ =	shalt  }
0x5e: {  	_ =	shalt  }
0x5f: {  	_ =	shalt  }
0x60: {  	_ =	shalt  }
0x61: {  	_ =	shalt  }
0x62: {  	_ =	shalt  }
0x63: {  	_ =	shalt  }
0x64: {  	_ =	shalt  }
0x65: {  	_ =	shalt  }
0x66: {  	_ =	shalt  }
0x67: {  	_ =	shalt  }
0x68: {  	_ =	shalt  }
0x69: {  	_ =	shalt  }
0x6a: {  	_ =	shalt  }
0x6b: {  	_ =	shalt  }
0x6c: {  	_ =	shalt  }
0x6d: {  	_ =	shalt  }
0x6e: {  	_ =	shalt  }
0x6f: {  	_ =	shalt  }
0x70: {  	_ =	shalt  }
0x71: {  	_ =	shalt  }
0x72: {  	_ =	shalt  }
0x73: {  	_ =	shalt  }
0x74: {  	_ =	shalt  }
0x75: {  	_ =	shalt  }
0x76: {  	_ =	shalt  }
0x77: {  	_ =	shalt  }
0x78: {  	_ =	shalt  }
0x79: {  	_ =	shalt  }
0x7a: {  	_ =	shalt  }
0x7b: {  	_ =	shalt  }
0x7c: {  	_ =	shalt  }
0x7d: {  	_ =	shalt  }
0x7e: {  	_ =	shalt  }
0x7f: {  	_ =	shalt  }
0x80: {  	_ =	shalt  }
0x81: {  	_ =	shalt  }
0x82: {  	_ =	shalt  }
0x83: {  	_ =	shalt  }
0x84: {  	_ =	shalt  }
0x85: {  	_ =	shalt  }
0x86: {  	_ =	shalt  }
0x87: {  	_ =	shalt  }
.Lfunc_end0:
.L_simem_size_0:
called_computation_lowered:
.L_overlay_start_0:
0x88: {  	s2 =	sld [smem:$0x3FD9]  }
0x89: {  	s3 =	sld [smem:$0x3FFE];
	_ =	sdelay $0x1  }
0x8a: {  	s1 =	srdreg.scid  }
0x8b: {  	s0 =	sand.u32 $0x1, s1  }
0x8c: {  	s17 =	sshll.u32 s0, $0xA;
	s2 =	sadd.s32 s3, s2  }
0x8d: {  	s2 =	sadd.s32 s2, s17  }
0x8e: {  	[smem:$0x3FC6] =	sst s2  }
0x8f: {  	_ = 	snop  }
0x90: {  	s2 =	sld [smem:$0x3FC9]  }
0x91: {  	s18 =	sld [smem:$0x3FD0];
	(tm) =	ssettm $0x1  }
0x92: {  	s4 =	sld [smem:$0x3FFB];
	_ =	sdelay $0x3  }
0x93: {  	_ =	strace s4  }
0x94: {  	s4 =	sld [smem:$0x3FFC];
	_ =	sdelay $0x3  }
0x95: {  	_ =	strace s4  }
0x96: {  	s4 =	sld [smem:$0x3FFD];
	_ =	sdelay $0x3  }
0x97: {  	_ =	strace s4  }
0x98: {  	_ =	strace $0x8FFFFFFF  }
0x99: {  	s19 =	sld [smem:$0x3FDB];
	_ =	sdelay $0x1  }
0x9a: {  	s5 =	simm.s32 $_scs_section_size  }
0x9b: {  	s6 =	simm.s32 $_size__tile_overlayer_lowered;
	s7 =	simm.s32 $_tile_overlayer_lowered  }
0x9c: {  	s22 =	simm.s32 $0x1BFF;
	s21 =	sshll.u32 s7, $0x1;
	s4 =	sadd.s32 s5, s19  }
0x9d: {  	s8 =	simm.s32 $0x0;
	s20 =	sshll.u32 s6, $0x1;
	s6 =	sadd.s32 s21, s4  }
0x9e: {  	[timem:s8], [sflag:s22] =	dma.local [hbm:s6], s20  }
0x9f: {  	_ =	swait.ge [sflag:s22], s20  }
0xa0: {  	s5 =	ssub.s32 $0x0, s20;
	[sflag:s22] =	ssyncset.done $0x0  }
0xa1: {  	[sflag:s22] =	ssyncadd.s32 s5;
	_ =	sdelay $0x1  }
0xa2: {  	s23 =	simm.s32 $0x1B8B  }
0xa3: {  	_ =	swait.ge [sflag:s23], $0x1  }
0xa4: {  	[sflag:s23] =	ssyncset.done $0x0  }
0xa5: {  	s25 =	simm.s32 $0x1B8E;
	s24 =	sld [smem:$0x3FFE];
	[sflag:s23] =	ssyncadd.s32 $0xFFFFFFFF  }
0xa6: {  	s26 =	simm.s32 $execute0_lowered;
	[smem:$0x3FD2] =	sst s25  }
0xa7: {  	s6 =	sshll.u32 s26, $0x1;
	_ =	strace $0x80000046;
	[dreg:$0x1] =	wrdreg $0xFFFFFFFF  }
0xa8: {  	s28 =	simm.s32 $_size_execute0_lowered;
	s4 =	sadd.s32 s4, s6;
	[dreg:$0x0] =	wrdreg $0x0  }
0xa9: {  	s6 =	sshll.u32 s28, $0x1;
	[dreg:$0x2] =	wrdreg s4  }
0xaa: {  	[dreg:$0x3] =	wrdreg s6  }
0xab: {  	[dreg:$0x4] =	wrdreg $0xC0  }
0xac: {  	_ =	task [dreg:s8], $0x5FFFF  }
0xad: {  	[dreg:$0x1] =	wrdreg $0xFFFFFFFF  }
0xae: {  	[dreg:$0x0] =	wrdreg $0x60  }
0xaf: {  	[dreg:$0x2] =	wrdreg s2  }
0xb0: {  	[dreg:$0x3] =	wrdreg s24  }
0xb1: {  	[dreg:$0x4] =	wrdreg s18  }
0xb2: {  	[dreg:$0x5] =	wrdreg $0x9  }
0xb3: {  	_ =	task.clear_ibuf [dreg:s8], $0x6FFFF;
	_ =	strace $0x90000046  }
0xb4: {  	s29 =	simm.s32 $0x9;
	_ =	strace $0x80000048  }
0xb5: {  	_ =	swait.ge [sflag:s29], $0x1  }
0xb6: {  	[sflag:s29] =	ssyncadd.s32 $0xFFFFFFFF  }
0xb7: {  	_ =	strace $0x90000048  }
0xb8: {  	_ =	sfence  }
0xb9: {  	s30 =	sld [smem:$0x0];
	_ =	sdelay $0x2  }
0xba: {  	s31 =	sshll.u32 s1, $0xD;
	s1 =	sshrl.u32 s1, $0x2  }
0xbb: {  	s3 =	sand.u32 $0x4000, s31;
	s1 =	sadd.s32 s1, s30  }
0xbc: {  	s0 =	sor.u32 s3, s0;
	s1 =	sshll.u32 s1, $0x11  }
0xbd: {  	s0 =	sor.u32 s1, s0  }
0xbe: {  	s0 =	sadd.s32 $0x8F2B, s0  }
0xbf: {  	[sflag:s0] =	ssyncadd.remote.s32 $0x1  }
0xc0: {  	_ =	sfence.sel $0xFFFF  }
0xc1: {  	[dreg:$0x0] =	wrdreg $0xFFFFFFFF;
	(pc) =	sbr.abs _section_cstart, $3  }
0xc2: {  	[dreg:$0x1] =	wrdreg $0xFFFFFFFF  }
0xc3: {  	_ =	task.clear_ibuf [dreg:s8], $0x2FFFF;
	_ =	strace $0x9FFFFFFF  }
0xc4: {  	(tm) =	ssettm $0x7FFFFFFF  }
0xc5: {  	_ =	shalt  }
tec
execute0_lowered:
.L_overlay_start_1:
0x0: {  	(tag) =	ssettag $0x1  }
0x1: {  	s1 =	rddreg [dreg:$0x0]  }
0x2: {  	s2 =	srdreg.scid;
	s6 =	rddreg [dreg:$0x1]  }
0x3: {  	s0 =	stileid.u32;
	s3 =	rddreg [dreg:$0x2]  }
0x4: {  	s4 =	simm.s32 $0x0;
	s12 =	simm.s32 $0x4;
	s13 =	simm.s32 $0x2  }
0x5: {  	s14 =	simm.s32 $0x1;
	s5 =	sand.u32 $0x1, s2;
	s30 =	sshll.u32 s0, $0x1  }
0x6: {  	s15 =	simm.s32 $0x3;
	[smem:$0x7FF] =	sst s4;
	s7 =	sor.u32 s5, s30  }
0x7: {  	s16 =	simm.s32 $0x0;
	_ =	strace $0x80000047;
	s8 =	smul.u32 $0x19000, s7  }
0x8: {  	s10 =	ssub.s32 $0x2, s5;
	s5 =	sadd.s32 $0x600, s6;
	s9 =	sshll.u32 s7, $0xC  }
0x9: {  	s31 =	sshrl.u32 s10, $0x1;
	s9 =	sand.u32 $0x3000, s9;
	s8 =	sand.u32 $0x3FC000, s8  }
0xa: {  	s6 =	smul.u32 $0x19, s7;
	s11 =	ssub.s32 s10, s31;
	s8 =	sor.u32 s9, s8  }
0xb: {  	s10 =	sadd.s32 $0xC000, s3;
	s11 =	smax.u32 s11, $0x1;
	s8 =	sshrl.u32 s8, $0x3  }
0xc: {  	s9 =	sadd.s32 $0x8000, s3;
	s7 =	sadd.s32 s1, s8;
	s8 =	sadd.s32 $0x4000, s3  }
.LBB2_1:
0xd: {  	[tilespmem:s4], [sflag:$0x4] =	stream.linear.gather [hbm4b:s5+s4], $0x1000, $0x38;
	[tilespmem:$0x1B000] =	vst v63  }
0xe: {  	_ =	swait.ge [sflag:s12], $0x1000  }
0xf: {  	[sflag:s12] =	ssyncset.done $0x0  }
0x10: {  	[sflag:s12] =	ssyncadd.s32 $0xFFFFF000  }
0x11: {  	v0 =	vld [tilespmem:$0x0]  }
0x12: {  	v1 =	vld [tilespmem:$0x80]  }
0x13: {  	v2 =	vld [tilespmem:$0x100]  }
0x14: {  	v3 =	vld [tilespmem:$0x180]  }
0x15: {  	v4 =	vld [tilespmem:$0x200]  }
0x16: {  	v5 =	vld [tilespmem:$0x280]  }
0x17: {  	v6 =	vld [tilespmem:$0x300]  }
0x18: {  	v7 =	vld [tilespmem:$0x380]  }
0x19: {  	v8 =	vld [tilespmem:$0x400]  }
0x1a: {  	v9 =	vld [tilespmem:$0x480]  }
0x1b: {  	v10 =	vld [tilespmem:$0x500]  }
0x1c: {  	v11 =	vld [tilespmem:$0x580]  }
0x1d: {  	v12 =	vld [tilespmem:$0x600]  }
0x1e: {  	v13 =	vld [tilespmem:$0x680]  }
0x1f: {  	v14 =	vld [tilespmem:$0x700]  }
0x20: {  	v15 =	vld [tilespmem:$0x780]  }
0x21: {  	v16 =	vld [tilespmem:$0x800]  }
0x22: {  	v17 =	vld [tilespmem:$0x880]  }
0x23: {  	v18 =	vld [tilespmem:$0x900]  }
0x24: {  	v19 =	vld [tilespmem:$0x980]  }
0x25: {  	v20 =	vld [tilespmem:$0xA00]  }
0x26: {  	v21 =	vld [tilespmem:$0xA80]  }
0x27: {  	v22 =	vld [tilespmem:$0xB00]  }
0x28: {  	v23 =	vld [tilespmem:$0xB80]  }
0x29: {  	v24 =	vld [tilespmem:$0xC00]  }
0x2a: {  	v25 =	vld [tilespmem:$0xC80]  }
0x2b: {  	v29 =	vld [tilespmem:$0xE80]  }
0x2c: {  	v30 =	vld [tilespmem:$0xF00]  }
0x2d: {  	v26 =	vld [tilespmem:$0xD00]  }
0x2e: {  	v27 =	vld [tilespmem:$0xD80]  }
0x2f: {  	s18 =	simm.s32 $0x1000;
	s17 =	sadd.s32 $0x0, s7;
	s19 =	simm.s32 $0x10;
	v28 =	vld [tilespmem:$0xE00]  }
0x30: {  	v31 =	vld [tilespmem:$0xF80];
	[tilespmem:s18], [sflag:$0x2] =	stream.linear.gather [hbm4b:s17+s4], $0x80, $0x38  }
.LBB2_2:
0x31: {  	p0 =	sne.s32 s19, $0x1F0  }
.Ltmp0:
0x32: {  	_ = 	snop;
	(pc) =	sbr.rel @p0 .LBB2_2-.Ltmp0, $4  }
0x33: {  	_ = 	snop  }
0x34: {  	s20 =	sadd.s32 s19, s7;
	s18 =	sadd.s32 $0x100, s18  }
0x35: {  	s17 =	simm.s32 $0x0;
	s19 =	sadd.s32 $0x10, s19  }
0x36: {  	[tilespmem:s18], [sflag:$0x2] =	stream.linear.gather [hbm4b:s20+s17], $0x80, $0x38;
	[tilespmem:$0x1B000] =	vst v63  }
.LBB2_3:
0x37: {  	s21 =	sand.u32 $0x1, s17  }
0x38: {  	p0 =	seq.s32 s21, $0x1  }
.Ltmp1:
0x39: {  	_ = 	snop;
	(pc) =	sbr.rel @p0 .LBB2_9-.Ltmp1, $2  }
0x3a: {  	_ =	sdelay $0x2  }
0x3b: {  	s19 =	sadd.s32 s6, s17  }
0x3c: {  	p0 =	seq.s32 s17, $0x18  }
.Ltmp2:
0x3d: {  	_ = 	snop;
	(pc) =	sbr.rel @p0 .LBB2_12-.Ltmp2, $4  }
0x3e: {  	_ = 	snop  }
0x3f: {  	_ =	swait.ge [sflag:s13], $0x1000  }
0x40: {  	[sflag:s13] =	ssyncset.done $0x0  }
0x41: {  	[sflag:s13] =	ssyncadd.s32 $0xFFFFF000  }
0x42: {  	s18 =	sshll.u32 s19, $0x9  }
0x43: {  	s18 =	sadd.s32 $0x200, s18  }
0x44: {  	s18 =	sand.u32 $0xFFFFE00, s18  }
0x45: {  	s22 =	sor.u32 $0x1, s17;
	s20 =	simm.s32 $0x1080;
	s18 =	sadd.s32 s1, s18  }
0x46: {  	s23 =	simm.s32 $0x10;
	s24 =	simm.s32 $0x1180;
	s25 =	sadd.s32 $0x0, s18  }
.LBB2_6:
0x47: {  	[tilespmem:s20], [sflag:$0x3] =	stream.linear.gather [hbm4b:s25+s4], $0x80, $0x38;
	[tilespmem:$0x1B000] =	vst v63  }
0x48: {  	s25 =	smov.u32 s23;
	s20 =	smov.u32 s24;
	p0 =	seq.s32 s23, $0x1F0  }
.Ltmp3:
0x49: {  	s23 =	sadd.s32 $0x10, s23;
	(pc) =	sbr.rel @!p0 .LBB2_6-.Ltmp3, $2  }
0x4a: {  	_ =	sdelay $0x2  }
0x4b: {  	s24 =	sadd.s32 $0x100, s24;
	s25 =	sadd.s32 s25, s18  }
0x4c: {  	s18 =	sshll.u32 s17, $0x2  }
0x4d: {  	p0 =	seq.s32 s17, $0x0;
	s31 =	smulhi.u32 $0x55555556, s18  }
.Ltmp4:
0x4e: {  	_ = 	snop;
	(pc) =	sbr.rel @!p0 .LBB2_13-.Ltmp4, $4  }
0x4f: {  	[tilespmem:s20], [sflag:$0x3] =	stream.linear.gather [hbm4b:s25+s4], $0x80, $0x38;
	[tilespmem:$0x1B000] =	vst v63  }
0x50: {  	s20 =	smul.u32 $0x3, s31  }
0x51: {  	s24 =	sshll.u32 s19, $0xF  }
0x52: {  	s23 =	ssub.s32 s18, s20;
	s20 =	sand.u32 $0x18000, s24  }
.Ltmp5:
0x53: {  	(pc) =	sbr.rel .LBB2_14-.Ltmp5, $2  }
0x54: {  	_ =	sdelay $0x2  }
0x55: {  	s18 =	simm.s32 $0x0;
	p0 =	por $0x1, $0x1;
	s17 =	smov.u32 s22  }
.LBB2_9:
0x56: {  	s18 =	sshll.u32 s19, $0x9  }
0x57: {  	s18 =	sadd.s32 $0x200, s18  }
0x58: {  	_ =	swait.ge [sflag:s15], $0x1000;
	s20 =	simm.s32 $0x1000;
	s18 =	sand.u32 $0xFFFFE00, s18  }
0x59: {  	s22 =	simm.s32 $0x10;
	[sflag:s15] =	ssyncset.done $0x0;
	s18 =	sadd.s32 s1, s18  }
0x5a: {  	s23 =	simm.s32 $0x1100;
	[sflag:s15] =	ssyncadd.s32 $0xFFFFF000;
	s24 =	sadd.s32 $0x0, s18  }
.LBB2_10:
0x5b: {  	[tilespmem:s20], [sflag:$0x2] =	stream.linear.gather [hbm4b:s24+s4], $0x80, $0x38;
	[tilespmem:$0x1B000] =	vst v63  }
0x5c: {  	s24 =	smov.u32 s22;
	s20 =	smov.u32 s23;
	p0 =	seq.s32 s22, $0x1F0  }
.Ltmp6:
0x5d: {  	s22 =	sadd.s32 $0x10, s22;
	(pc) =	sbr.rel @!p0 .LBB2_10-.Ltmp6, $2  }
0x5e: {  	_ =	sdelay $0x2  }
0x5f: {  	s23 =	sadd.s32 $0x100, s23;
	s24 =	sadd.s32 s24, s18  }
0x60: {  	s18 =	sshll.u32 s17, $0x2  }
0x61: {  	s30 =	smulhi.u32 $0x55555556, s18  }
.Ltmp7:
0x62: {  	_ = 	snop;
	(pc) =	sbr.rel .LBB2_13-.Ltmp7, $4  }
0x63: {  	[tilespmem:s20], [sflag:$0x2] =	stream.linear.gather [hbm4b:s24+s4], $0x80, $0x38;
	[tilespmem:$0x1B000] =	vst v63  }
0x64: {  	s20 =	smul.u32 $0x3, s30  }
0x65: {  	s31 =	sshll.u32 s19, $0xF  }
0x66: {  	s22 =	sadd.s32 $0x1, s17;
	s23 =	ssub.s32 s18, s20;
	s20 =	sand.u32 $0x18000, s31  }
.LBB2_12:
0x67: {  	s17 =	sshll.u32 s19, $0xF;
	s22 =	simm.s32 $0x19  }
0x68: {  	s18 =	simm.s32 $0x60;
	s23 =	simm.s32 $0x0;
	s20 =	sand.u32 $0x18000, s17  }
.LBB2_13:
0x69: {  	_ =	swait.ge [sflag:s14], $0x8000  }
0x6a: {  	[sflag:s14] =	ssyncset.done $0x0  }
0x6b: {  	p0 =	por $0x0, $0x0;
	s17 =	smov.u32 s22;
	[sflag:s14] =	ssyncadd.s32 $0xFFFF8000  }
.LBB2_14:
0x6c: {  	s21 =	sshll.u32 s21, $0x7  }
0x6d: {  	v32 =	vmov s21  }
0x6e: {  	s22 =	simm.s32 $0x0  }
0x6f: {  	s24 =	sand.u32 $0x60, s22;
	s26 =	sand.u32 $0x1F00, s22  }
0x70: {  	s21 =	sadd.s32 $0x1000, s26;
	s25 =	sor.u32 $0x10, s24  }
0x71: {  	s26 =	sor.u32 s25, s21  }
0x72: {  	s21 =	sor.u32 s24, s21;
	v33 =	vld.idx.msk [tilespmem:v32+s26+$0x0 ss:$0x1], $0xffff  }
0x73: {  	v35 =	vld.idx.msk [tilespmem:v32+s21+$0x0 ss:$0x1], $0xffff  }
0x74: {  	s29 =	sshll.u32 s23, $0xF  }
0x75: {  	s21 =	sand.u32 $0x3FFF8000, s29  }
0x76: {  	s30 =	sand.u32 $0x7C00, s22;
	s21 =	sor.u32 $0x3000, s21  }
0x77: {  	s31 =	sadd.s32 s30, s21;
	v34 =	vperm.xlane v0, v33;
	v36 =	vperm.xlane v7, v33  }
0x78: {  	s23 =	sadd.s32 s25, s31;
	v37 =	vperm.xlane v0, v35;
	v38 =	vperm.xlane v1, v35  }
0x79: {  	s25 =	sadd.s32 s24, s31;
	v43 =	vperm.xlane v2, v35;
	v44 =	vperm.xlane v3, v35;
	[tilespmem:s23+$0x380] =	vst v36  }
0x7a: {  	v42 =	vperm.xlane v4, v35;
	v40 =	vperm.xlane v5, v35;
	[tilespmem:s25+$0x0] =	vst v37  }
0x7b: {  	v41 =	vperm.xlane v6, v35;
	v39 =	vperm.xlane v7, v35;
	[tilespmem:s25+$0x80] =	vst v38  }
0x7c: {  	v35 =	vperm.xlane v4, v33;
	[tilespmem:s25+$0x100] =	vst v43;
	v37 =	vperm.xlane v1, v33  }
0x7d: {  	s28 =	simm.s32 $0x20;
	s26 =	simm.s32 $0x40;
	s24 =	simm.s32 $0x0;
	v36 =	vperm.xlane v2, v33;
	[tilespmem:s25+$0x180] =	vst v44;
	v38 =	vperm.xlane v3, v33  }
.LBB2_15:
0x7e: {  	s29 =	sand.u32 $0x60, s28;
	s30 =	sand.u32 $0x1F00, s26;
	s24 =	sadd.s32 $0x2, s24;
	[tilespmem:s25+$0x200] =	vst v42;
	v42 =	vperm.xlane v5, v33;
	v43 =	vperm.xlane v6, v33  }
0x7f: {  	s30 =	sadd.s32 $0x1000, s30;
	s31 =	sor.u32 $0x10, s29;
	p1 =	slt.u32 s24, $0xFE;
	[tilespmem:s25+$0x280] =	vst v40  }
0x80: {  	s2 =	sor.u32 s29, s30;
	s30 =	sor.u32 s31, s30;
	[tilespmem:s25+$0x300] =	vst v41  }
0x81: {  	v33 =	vld.idx.msk [tilespmem:v32+s30+$0x0 ss:$0x1], $0xffff;
	[tilespmem:s25+$0x380] =	vst v39  }
0x82: {  	v39 =	vld.idx.msk [tilespmem:v32+s2+$0x0 ss:$0x1], $0xffff;
	[tilespmem:s23+$0x0] =	vst v34  }
0x83: {  	[tilespmem:s23+$0x80] =	vst v37  }
0x84: {  	[tilespmem:s23+$0x100] =	vst v36  }
0x85: {  	s22 =	sadd.s32 $0x100, s22;
	[tilespmem:s23+$0x180] =	vst v38  }
0x86: {  	s2 =	sand.u32 $0x7C00, s22;
	[tilespmem:s23+$0x200] =	vst v35  }
0x87: {  	s2 =	sadd.s32 s2, s21;
	v34 =	vperm.xlane v0, v33;
	v35 =	vperm.xlane v7, v33;
	[tilespmem:s23+$0x280] =	vst v42  }
0x88: {  	s25 =	sadd.s32 s29, s2;
	v36 =	vperm.xlane v0, v39;
	v37 =	vperm.xlane v1, v39;
	[tilespmem:s23+$0x300] =	vst v43;
	s23 =	sadd.s32 s31, s2  }
.Ltmp8:
0x89: {  	v38 =	vperm.xlane v2, v39;
	v43 =	vperm.xlane v3, v39;
	[tilespmem:s23+$0x380] =	vst v35;
	(pc) =	sbr.rel @p1 .LBB2_15-.Ltmp8, $4  }
0x8a: {  	v42 =	vperm.xlane v4, v39;
	v40 =	vperm.xlane v5, v39;
	[tilespmem:s25+$0x0] =	vst v36  }
0x8b: {  	v41 =	vperm.xlane v6, v39;
	v39 =	vperm.xlane v7, v39;
	[tilespmem:s25+$0x80] =	vst v37  }
0x8c: {  	v36 =	vperm.xlane v2, v33;
	v37 =	vperm.xlane v1, v33;
	[tilespmem:s25+$0x100] =	vst v38  }
0x8d: {  	s26 =	sadd.s32 $0x40, s26;
	s28 =	sadd.s32 $0x20, s28;
	v35 =	vperm.xlane v4, v33;
	v38 =	vperm.xlane v3, v33;
	[tilespmem:s25+$0x180] =	vst v43  }
0x8e: {  	[tilespmem:s25+$0x200] =	vst v42  }
0x8f: {  	[tilespmem:s25+$0x280] =	vst v40  }
0x90: {  	[tilespmem:s25+$0x300] =	vst v41  }
0x91: {  	[tilespmem:s25+$0x380] =	vst v39  }
0x92: {  	[tilespmem:s23+$0x0] =	vst v34  }
0x93: {  	[tilespmem:s23+$0x80] =	vst v37  }
0x94: {  	[tilespmem:s23+$0x100] =	vst v36;
	s2 =	sshll.u32 s19, $0x11  }
0x95: {  	v58 =	vperm.xlane v5, v33;
	[tilespmem:s23+$0x180] =	vst v38;
	s2 =	sand.u32 $0x7FF80000, s2  }
0x96: {  	v59 =	vperm.xlane v6, v33;
	[tilespmem:s23+$0x200] =	vst v35;
	s2 =	sor.u32 s2, s20  }
0x97: {  	s25 =	sor.u32 $0x1, s18;
	s22 =	simm.s32 @!p0 $0x1;
	[tilespmem:s23+$0x280] =	vst v58;
	s19 =	sshrl.u32 s2, $0x3  }
0x98: {  	s26 =	smulhi.u32 $0x55555556, s25;
	[tilespmem:s23+$0x300] =	vst v59;
	s20 =	simm.s32 $0x0;
	s2 =	sadd.s32 s3, s19  }
0x99: {  	[hbm4b:s2+s4] =	stream.linear.scatter [tilespmem:s21], [sflag:$0x1], $0x8000, $0x38;
	[tilespmem:$0x1B000] =	vst v63  }
0x9a: {  	s28 =	sand.u32 $0x60, s20;
	s24 =	sand.u32 $0x1F00, s20;
	_ =	swait.ge @!p0 [sflag:s22], $0x8000  }
0x9b: {  	s24 =	sadd.s32 $0x1000, s24;
	s29 =	sor.u32 $0x10, s28;
	[sflag:s22] =	ssyncset.done @!p0 $0x0  }
0x9c: {  	s21 =	smul.u32 $0x3, s26;
	s30 =	sor.u32 s29, s24;
	[sflag:s22] =	ssyncadd.s32 @!p0 $0xFFFF8000  }
0x9d: {  	s24 =	sor.u32 s28, s24;
	v33 =	vld.idx.msk [tilespmem:v32+s30+$0x0 ss:$0x1], $0xffff  }
0x9e: {  	s2 =	ssub.s32 s25, s21;
	v60 =	vld.idx.msk [tilespmem:v32+s24+$0x0 ss:$0x1], $0xffff  }
0x9f: {  	s2 =	sshll.u32 s2, $0xF  }
0xa0: {  	s2 =	sand.u32 $0x3FFF8000, s2  }
0xa1: {  	s31 =	sand.u32 $0x7C00, s20;
	s21 =	sor.u32 $0x3000, s2  }
0xa2: {  	s2 =	sadd.s32 s31, s21;
	v34 =	vperm.xlane v8, v33;
	v61 =	vperm.xlane v15, v33  }
0xa3: {  	s22 =	sadd.s32 s29, s2;
	v62 =	vperm.xlane v8, v60;
	v63 =	vperm.xlane v9, v60  }
0xa4: {  	s24 =	sadd.s32 s28, s2;
	v43 =	vperm.xlane v10, v60;
	v44 =	vperm.xlane v11, v60;
	[tilespmem:s22+$0x380] =	vst v61  }
0xa5: {  	v42 =	vperm.xlane v12, v60;
	v40 =	vperm.xlane v13, v60;
	[tilespmem:s24+$0x0] =	vst v62  }
0xa6: {  	v41 =	vperm.xlane v14, v60;
	v39 =	vperm.xlane v15, v60;
	[tilespmem:s24+$0x80] =	vst v63  }
0xa7: {  	v37 =	vperm.xlane v9, v33;
	v36 =	vperm.xlane v10, v33;
	[tilespmem:s24+$0x100] =	vst v43  }
0xa8: {  	s23 =	simm.s32 $0x0;
	s26 =	simm.s32 $0x20;
	s25 =	simm.s32 $0x40;
	v38 =	vperm.xlane v11, v33;
	v35 =	vperm.xlane v12, v33;
	[tilespmem:s24+$0x180] =	vst v44  }
.LBB2_17:
0xa9: {  	s2 =	sand.u32 $0x60, s26;
	s28 =	sand.u32 $0x1F00, s25;
	s23 =	sadd.s32 $0x2, s23;
	[tilespmem:s24+$0x200] =	vst v42;
	v42 =	vperm.xlane v13, v33;
	v43 =	vperm.xlane v14, v33  }
0xaa: {  	s28 =	sadd.s32 $0x1000, s28;
	s29 =	sor.u32 $0x10, s2;
	p1 =	slt.u32 s23, $0xFE;
	[tilespmem:s24+$0x280] =	vst v40  }
0xab: {  	s30 =	sor.u32 s2, s28;
	s28 =	sor.u32 s29, s28;
	[tilespmem:s24+$0x300] =	vst v41  }
0xac: {  	v33 =	vld.idx.msk [tilespmem:v32+s28+$0x0 ss:$0x1], $0xffff;
	[tilespmem:s24+$0x380] =	vst v39  }
0xad: {  	v39 =	vld.idx.msk [tilespmem:v32+s30+$0x0 ss:$0x1], $0xffff;
	[tilespmem:s22+$0x0] =	vst v34  }
0xae: {  	[tilespmem:s22+$0x80] =	vst v37  }
0xaf: {  	[tilespmem:s22+$0x100] =	vst v36  }
0xb0: {  	s20 =	sadd.s32 $0x100, s20;
	[tilespmem:s22+$0x180] =	vst v38  }
0xb1: {  	s24 =	sand.u32 $0x7C00, s20;
	[tilespmem:s22+$0x200] =	vst v35  }
0xb2: {  	s28 =	sadd.s32 s24, s21;
	v34 =	vperm.xlane v8, v33;
	v35 =	vperm.xlane v15, v33;
	[tilespmem:s22+$0x280] =	vst v42  }
0xb3: {  	s24 =	sadd.s32 s2, s28;
	v36 =	vperm.xlane v8, v39;
	v37 =	vperm.xlane v9, v39;
	[tilespmem:s22+$0x300] =	vst v43;
	s22 =	sadd.s32 s29, s28  }
.Ltmp9:
0xb4: {  	v38 =	vperm.xlane v10, v39;
	v43 =	vperm.xlane v11, v39;
	[tilespmem:s22+$0x380] =	vst v35;
	(pc) =	sbr.rel @p1 .LBB2_17-.Ltmp9, $4  }
0xb5: {  	v42 =	vperm.xlane v12, v39;
	v40 =	vperm.xlane v13, v39;
	[tilespmem:s24+$0x0] =	vst v36  }
0xb6: {  	v41 =	vperm.xlane v14, v39;
	v39 =	vperm.xlane v15, v39;
	[tilespmem:s24+$0x80] =	vst v37  }
0xb7: {  	v36 =	vperm.xlane v10, v33;
	v37 =	vperm.xlane v9, v33;
	[tilespmem:s24+$0x100] =	vst v38  }
0xb8: {  	s25 =	sadd.s32 $0x40, s25;
	s26 =	sadd.s32 $0x20, s26;
	v35 =	vperm.xlane v12, v33;
	v38 =	vperm.xlane v11, v33;
	[tilespmem:s24+$0x180] =	vst v43  }
0xb9: {  	[tilespmem:s24+$0x200] =	vst v42  }
0xba: {  	[tilespmem:s24+$0x280] =	vst v40  }
0xbb: {  	[tilespmem:s24+$0x300] =	vst v41  }
0xbc: {  	[tilespmem:s24+$0x380] =	vst v39  }
0xbd: {  	[tilespmem:s22+$0x0] =	vst v34  }
0xbe: {  	[tilespmem:s22+$0x80] =	vst v37  }
0xbf: {  	[tilespmem:s22+$0x100] =	vst v36  }
0xc0: {  	v58 =	vperm.xlane v13, v33;
	[tilespmem:s22+$0x180] =	vst v38  }
0xc1: {  	v59 =	vperm.xlane v14, v33;
	[tilespmem:s22+$0x200] =	vst v35  }
0xc2: {  	s2 =	sadd.s32 s19, s8;
	s26 =	sor.u32 $0x2, s18;
	[tilespmem:s22+$0x280] =	vst v58  }
0xc3: {  	s20 =	simm.s32 $0x0;
	s28 =	smulhi.u32 $0x55555556, s26;
	[tilespmem:s22+$0x300] =	vst v59;
	s22 =	simm.s32 @!p0 $0x1  }
0xc4: {  	[hbm4b:s2+s4] =	stream.linear.scatter [tilespmem:s21], [sflag:$0x1], $0x8000, $0x38;
	[tilespmem:$0x1B000] =	vst v63  }
0xc5: {  	s23 =	sand.u32 $0x60, s20;
	s29 =	sand.u32 $0x1F00, s20;
	_ =	swait.ge @!p0 [sflag:s22], $0x8000  }
0xc6: {  	s24 =	sadd.s32 $0x1000, s29;
	s25 =	sor.u32 $0x10, s23;
	[sflag:s22] =	ssyncset.done @!p0 $0x0  }
0xc7: {  	s21 =	smul.u32 $0x3, s28;
	s30 =	sor.u32 s25, s24;
	[sflag:s22] =	ssyncadd.s32 @!p0 $0xFFFF8000  }
0xc8: {  	s24 =	sor.u32 s23, s24;
	v33 =	vld.idx.msk [tilespmem:v32+s30+$0x0 ss:$0x1], $0xffff  }
0xc9: {  	s2 =	ssub.s32 s26, s21;
	v60 =	vld.idx.msk [tilespmem:v32+s24+$0x0 ss:$0x1], $0xffff  }
0xca: {  	s2 =	sshll.u32 s2, $0xF  }
0xcb: {  	s2 =	sand.u32 $0x3FFF8000, s2  }
0xcc: {  	s31 =	sand.u32 $0x7C00, s20;
	s21 =	sor.u32 $0x3000, s2  }
0xcd: {  	s2 =	sadd.s32 s31, s21;
	v34 =	vperm.xlane v16, v33;
	v61 =	vperm.xlane v23, v33  }
0xce: {  	s22 =	sadd.s32 s25, s2;
	v62 =	vperm.xlane v16, v60;
	v63 =	vperm.xlane v17, v60  }
0xcf: {  	s24 =	sadd.s32 s23, s2;
	v43 =	vperm.xlane v18, v60;
	v44 =	vperm.xlane v19, v60;
	[tilespmem:s22+$0x380] =	vst v61  }
0xd0: {  	v42 =	vperm.xlane v20, v60;
	v40 =	vperm.xlane v21, v60;
	[tilespmem:s24+$0x0] =	vst v62  }
0xd1: {  	v41 =	vperm.xlane v22, v60;
	v39 =	vperm.xlane v23, v60;
	[tilespmem:s24+$0x80] =	vst v63  }
0xd2: {  	v37 =	vperm.xlane v17, v33;
	v36 =	vperm.xlane v18, v33;
	[tilespmem:s24+$0x100] =	vst v43  }
0xd3: {  	s26 =	simm.s32 $0x20;
	s23 =	simm.s32 $0x0;
	s25 =	simm.s32 $0x40;
	v38 =	vperm.xlane v19, v33;
	v35 =	vperm.xlane v20, v33;
	[tilespmem:s24+$0x180] =	vst v44  }
.LBB2_19:
0xd4: {  	s2 =	sand.u32 $0x60, s26;
	s28 =	sand.u32 $0x1F00, s25;
	s23 =	sadd.s32 $0x2, s23;
	[tilespmem:s24+$0x200] =	vst v42;
	v42 =	vperm.xlane v21, v33;
	v43 =	vperm.xlane v22, v33  }
0xd5: {  	s28 =	sadd.s32 $0x1000, s28;
	s29 =	sor.u32 $0x10, s2;
	p0 =	slt.u32 s23, $0xFE;
	[tilespmem:s24+$0x280] =	vst v40  }
0xd6: {  	s30 =	sor.u32 s2, s28;
	s28 =	sor.u32 s29, s28;
	[tilespmem:s24+$0x300] =	vst v41  }
0xd7: {  	v33 =	vld.idx.msk [tilespmem:v32+s28+$0x0 ss:$0x1], $0xffff;
	[tilespmem:s24+$0x380] =	vst v39  }
0xd8: {  	v39 =	vld.idx.msk [tilespmem:v32+s30+$0x0 ss:$0x1], $0xffff;
	[tilespmem:s22+$0x0] =	vst v34  }
0xd9: {  	[tilespmem:s22+$0x80] =	vst v37  }
0xda: {  	[tilespmem:s22+$0x100] =	vst v36  }
0xdb: {  	s20 =	sadd.s32 $0x100, s20;
	[tilespmem:s22+$0x180] =	vst v38  }
0xdc: {  	s24 =	sand.u32 $0x7C00, s20;
	[tilespmem:s22+$0x200] =	vst v35  }
0xdd: {  	s28 =	sadd.s32 s24, s21;
	v34 =	vperm.xlane v16, v33;
	v35 =	vperm.xlane v23, v33;
	[tilespmem:s22+$0x280] =	vst v42  }
0xde: {  	s24 =	sadd.s32 s2, s28;
	v36 =	vperm.xlane v16, v39;
	v37 =	vperm.xlane v17, v39;
	[tilespmem:s22+$0x300] =	vst v43;
	s22 =	sadd.s32 s29, s28  }
.Ltmp10:
0xdf: {  	v38 =	vperm.xlane v18, v39;
	v43 =	vperm.xlane v19, v39;
	[tilespmem:s22+$0x380] =	vst v35;
	(pc) =	sbr.rel @p0 .LBB2_19-.Ltmp10, $4  }
0xe0: {  	v42 =	vperm.xlane v20, v39;
	v40 =	vperm.xlane v21, v39;
	[tilespmem:s24+$0x0] =	vst v36  }
0xe1: {  	v41 =	vperm.xlane v22, v39;
	v39 =	vperm.xlane v23, v39;
	[tilespmem:s24+$0x80] =	vst v37  }
0xe2: {  	v36 =	vperm.xlane v18, v33;
	v37 =	vperm.xlane v17, v33;
	[tilespmem:s24+$0x100] =	vst v38  }
0xe3: {  	s25 =	sadd.s32 $0x40, s25;
	s26 =	sadd.s32 $0x20, s26;
	v35 =	vperm.xlane v20, v33;
	v38 =	vperm.xlane v19, v33;
	[tilespmem:s24+$0x180] =	vst v43  }
0xe4: {  	[tilespmem:s24+$0x200] =	vst v42  }
0xe5: {  	[tilespmem:s24+$0x280] =	vst v40  }
0xe6: {  	[tilespmem:s24+$0x300] =	vst v41  }
0xe7: {  	[tilespmem:s24+$0x380] =	vst v39  }
0xe8: {  	[tilespmem:s22+$0x0] =	vst v34  }
0xe9: {  	[tilespmem:s22+$0x80] =	vst v37  }
0xea: {  	[tilespmem:s22+$0x100] =	vst v36  }
0xeb: {  	v57 =	vperm.xlane v21, v33;
	[tilespmem:s22+$0x180] =	vst v38  }
0xec: {  	v58 =	vperm.xlane v22, v33;
	[tilespmem:s22+$0x200] =	vst v35  }
0xed: {  	s26 =	sor.u32 $0x3, s18;
	[tilespmem:s22+$0x280] =	vst v57  }
0xee: {  	s2 =	sadd.s32 s19, s9;
	s20 =	simm.s32 $0x0;
	s18 =	smulhi.u32 $0x55555556, s26;
	[tilespmem:s22+$0x300] =	vst v58  }
0xef: {  	[hbm4b:s2+s20] =	stream.linear.scatter [tilespmem:s21], [sflag:$0x1], $0x8000, $0x38;
	[tilespmem:$0x1B000] =	vst v63  }
0xf0: {  	s28 =	sand.u32 $0x60, s20;
	s29 =	sand.u32 $0x1F00, s20;
	_ =	swait.ge [sflag:s14], $0x8000  }
0xf1: {  	s23 =	sor.u32 $0x10, s28;
	s21 =	sadd.s32 $0x1000, s29;
	[sflag:s14] =	ssyncset.done $0x0  }
0xf2: {  	s30 =	sor.u32 s23, s21;
	[sflag:s14] =	ssyncadd.s32 $0xFFFF8000  }
0xf3: {  	s18 =	smul.u32 $0x3, s18;
	s21 =	sor.u32 s28, s21;
	v33 =	vld.idx.msk [tilespmem:v32+s30+$0x0 ss:$0x1], $0xffff  }
0xf4: {  	v59 =	vld.idx.msk [tilespmem:v32+s21+$0x0 ss:$0x1], $0xffff  }
0xf5: {  	s2 =	ssub.s32 s26, s18  }
0xf6: {  	s2 =	sshll.u32 s2, $0xF  }
0xf7: {  	s31 =	sand.u32 $0x7C00, s20;
	s18 =	sor.u32 $0x3000, s2  }
0xf8: {  	s2 =	sadd.s32 s31, s18;
	v34 =	vperm.xlane v24, v33;
	v60 =	vperm.xlane v31, v33  }
0xf9: {  	s21 =	sadd.s32 s23, s2;
	v61 =	vperm.xlane v24, v59;
	v62 =	vperm.xlane v25, v59  }
0xfa: {  	s23 =	sadd.s32 s28, s2;
	v63 =	vperm.xlane v26, v59;
	v43 =	vperm.xlane v27, v59;
	[tilespmem:s21+$0x380] =	vst v60  }
0xfb: {  	v42 =	vperm.xlane v28, v59;
	v40 =	vperm.xlane v29, v59;
	[tilespmem:s23+$0x0] =	vst v61  }
0xfc: {  	v41 =	vperm.xlane v30, v59;
	v38 =	vperm.xlane v31, v59;
	[tilespmem:s23+$0x80] =	vst v62  }
0xfd: {  	s19 =	sadd.s32 s19, s10;
	v37 =	vperm.xlane v25, v33;
	v36 =	vperm.xlane v26, v33;
	[tilespmem:s23+$0x100] =	vst v63  }
0xfe: {  	s24 =	simm.s32 $0x40;
	s25 =	simm.s32 $0x20;
	s22 =	simm.s32 $0x0;
	v39 =	vperm.xlane v27, v33;
	v35 =	vperm.xlane v28, v33;
	[tilespmem:s23+$0x180] =	vst v43  }
.LBB2_21:
0xff: {  	s2 =	sand.u32 $0x60, s25;
	s26 =	sand.u32 $0x1F00, s24;
	s22 =	sadd.s32 $0x2, s22;
	[tilespmem:s23+$0x200] =	vst v42;
	v42 =	vperm.xlane v29, v33;
	v43 =	vperm.xlane v30, v33  }
0x100: {  	s26 =	sadd.s32 $0x1000, s26;
	s28 =	sor.u32 $0x10, s2;
	p0 =	slt.u32 s22, $0xFE;
	[tilespmem:s23+$0x280] =	vst v40  }
0x101: {  	s29 =	sor.u32 s2, s26;
	s26 =	sor.u32 s28, s26;
	[tilespmem:s23+$0x300] =	vst v41  }
0x102: {  	v33 =	vld.idx.msk [tilespmem:v32+s26+$0x0 ss:$0x1], $0xffff;
	[tilespmem:s23+$0x380] =	vst v38  }
0x103: {  	v38 =	vld.idx.msk [tilespmem:v32+s29+$0x0 ss:$0x1], $0xffff;
	[tilespmem:s21+$0x0] =	vst v34  }
0x104: {  	[tilespmem:s21+$0x80] =	vst v37  }
0x105: {  	[tilespmem:s21+$0x100] =	vst v36  }
0x106: {  	s20 =	sadd.s32 $0x100, s20;
	[tilespmem:s21+$0x180] =	vst v39  }
0x107: {  	s23 =	sand.u32 $0x7C00, s20;
	[tilespmem:s21+$0x200] =	vst v35  }
0x108: {  	s26 =	sadd.s32 s23, s18;
	v34 =	vperm.xlane v24, v33;
	v35 =	vperm.xlane v31, v33;
	[tilespmem:s21+$0x280] =	vst v42  }
0x109: {  	s23 =	sadd.s32 s2, s26;
	v36 =	vperm.xlane v24, v38;
	v37 =	vperm.xlane v25, v38;
	[tilespmem:s21+$0x300] =	vst v43;
	s21 =	sadd.s32 s28, s26  }
.Ltmp11:
0x10a: {  	v39 =	vperm.xlane v26, v38;
	v43 =	vperm.xlane v27, v38;
	[tilespmem:s21+$0x380] =	vst v35;
	(pc) =	sbr.rel @p0 .LBB2_21-.Ltmp11, $4  }
0x10b: {  	v42 =	vperm.xlane v28, v38;
	v40 =	vperm.xlane v29, v38;
	[tilespmem:s23+$0x0] =	vst v36  }
0x10c: {  	v41 =	vperm.xlane v30, v38;
	v38 =	vperm.xlane v31, v38;
	[tilespmem:s23+$0x80] =	vst v37  }
0x10d: {  	v36 =	vperm.xlane v26, v33;
	v37 =	vperm.xlane v25, v33;
	[tilespmem:s23+$0x100] =	vst v39  }
0x10e: {  	s24 =	sadd.s32 $0x40, s24;
	s25 =	sadd.s32 $0x20, s25;
	v35 =	vperm.xlane v28, v33;
	v39 =	vperm.xlane v27, v33;
	[tilespmem:s23+$0x180] =	vst v43  }
0x10f: {  	[tilespmem:s23+$0x200] =	vst v42  }
0x110: {  	[tilespmem:s23+$0x280] =	vst v40  }
0x111: {  	[tilespmem:s23+$0x300] =	vst v41  }
0x112: {  	[tilespmem:s23+$0x380] =	vst v38  }
0x113: {  	[tilespmem:s21+$0x0] =	vst v34  }
0x114: {  	[tilespmem:s21+$0x80] =	vst v37  }
0x115: {  	[tilespmem:s21+$0x100] =	vst v36;
	p0 =	slt.u32 s17, $0x19  }
.Ltmp12:
0x116: {  	v32 =	vperm.xlane v29, v33;
	[tilespmem:s21+$0x180] =	vst v39;
	(pc) =	sbr.rel @p0 .LBB2_3-.Ltmp12, $4  }
0x117: {  	v63 =	vperm.xlane v30, v33;
	[tilespmem:s21+$0x200] =	vst v35  }
0x118: {  	[tilespmem:s21+$0x280] =	vst v32  }
0x119: {  	[tilespmem:s21+$0x300] =	vst v63  }
0x11a: {  	[hbm4b:s19+s4] =	stream.linear.scatter [tilespmem:s18], [sflag:$0x1], $0x8000, $0x38;
	[tilespmem:$0x1B000] =	vst v63  }
0x11b: {  	_ =	swait.ge [sflag:s14], $0x8000  }
0x11c: {  	[sflag:s14] =	ssyncset.done $0x0  }
0x11d: {  	s16 =	sadd.s32 $0x1, s16;
	[sflag:s14] =	ssyncadd.s32 $0xFFFF8000  }
0x11e: {  	p0 =	sne.s32 s16, s11;
	_ =	swait.ge [sflag:s14], $0x8000  }
.Ltmp13:
0x11f: {  	[sflag:s14] =	ssyncset.done $0x0;
	(pc) =	sbr.rel @p0 .LBB2_1-.Ltmp13, $4  }
0x120: {  	[sflag:s14] =	ssyncadd.s32 $0xFFFF8000  }
0x121: {  	_ =	swait.ge [sflag:s14], $0x8000  }
0x122: {  	[sflag:s14] =	ssyncset.done $0x0  }
0x123: {  	[sflag:s14] =	ssyncadd.s32 $0xFFFF8000  }
0x124: {  	_ =	sfence.sel $0x180000  }
0x125: {  	[bflag:$0x0] =	sbarrier.arrive $0xFFFF  }
0x126: {  	_ =	strace $0x90000047  }
0x127: {  	[bflag:$0x2] =	sbarrier.arrive $0xFFFF  }
0x128: {  	p0 =	sne.s32 s0, $0x0;
	s0 =	rddreg [dreg:$0x3]  }
0x129: {  	s0 =	sadd.s32 @!p0 $0x100000, s0  }
0x12a: {  	[sflag:s0] =	ssyncadd.tile.s32 @!p0 $0x1;
	_ =	shalt  }
.Lfunc_end2:
_tile_overlayer_lowered:
.L_overlay_start_2:
0x12b: {  	(tag) =	ssettag $0x2  }
0x12c: {  	s0 =	rddreg [dreg:$0x0];
	s2 =	stileid.u32  }
0x12d: {  	s1 =	rddreg [dreg:$0x1];
	p0 =	sne.s32 s2, $0x0  }
0x12e: {  	s3 =	rddreg [dreg:$0x2];
	[bflag:$0x3] =	sbarrier.arrive $0xFFFF;
	s2 =	simm.s32 @!p0 $0x1C04  }
0x12f: {  	[timem:s3], [sflag:s2] =	dma.local @!p0 [hbm:s0], s1  }
0x130: {  	s0 =	simm.s32 @!p0 $0x4  }
0x131: {  	_ =	swait.ge @!p0 [sflag:s0], s1  }
0x132: {  	s1 =	ssub.s32 @!p0 $0x0, s1;
	[sflag:s0] =	ssyncset.done @!p0 $0x0  }
0x133: {  	[sflag:s0] =	ssyncadd.s32 @!p0 s1  }
0x134: {  	[bflag:$0x3] =	sbarrier.arrive $0xFFFF  }
0x135: {  	_ =	shalt  }

</sc_bundles>
